<compile_context>
chip_gen: v7x
topology: tpu7x:2x2x1
jax: 0.10.2.dev20260603
libtpu: 0.0.44.dev20260713+nightly
codegen_flags: <defaults>
</compile_context>

<pallas_src>
import functools

import jax
import jax.numpy as jnp
from jax import lax
from jax.experimental import pallas as pl
from jax.experimental.pallas import tpu as pltpu
from jax.experimental.pallas import tpu_sc as plsc

_N = 10000
_E = 320000
_F = 128
_H = 64
_G = 128
_C = 10

_NC = 2
_NS = 16
_NW = _NC * _NS
_B = 128
_EPW = _E // _NW
_K = 80
_NP = 10112
_RPT = _NP // _NS

_F32 = jnp.float32
_HI = lax.Precision.HIGHEST
_TC_PARAMS = pltpu.CompilerParams(vmem_limit_bytes=100 * 1024 * 1024)


def _edge_agg(m, zeros, src3, dst3):
    mesh = plsc.VectorSubcoreMesh(core_axis_name="c", subcore_axis_name="s")

    @functools.partial(
        pl.kernel,
        out_type=jax.ShapeDtypeStruct((_NC, _NP, _H), _F32),
        mesh=mesh,
        scratch_types=[
            pltpu.VMEM((_K, _B), jnp.int32),
            pltpu.VMEM((_K, _B), jnp.int32),
            pltpu.VMEM((_B, _H), _F32),
            pltpu.VMEM((_B, _H), _F32),
            pltpu.VMEM_SHARED((_NP, _H), _F32),
            pltpu.VMEM_SHARED((_NP, _H), _F32),
            pltpu.SemaphoreType.DMA,
            pltpu.SemaphoreType.DMA,
        ],
        compiler_params=pltpu.CompilerParams(use_tc_tiling_on_sc=False),
    )
    def k(m_hbm, z_hbm, src_hbm, dst_hbm, out_hbm, src_v, dst_v, rows_v,
          rows_b, m_sh, agg_sh, sem, semb):
        c = lax.axis_index("c")
        s = lax.axis_index("s")
        wid = s * _NC + c
        pltpu.sync_copy(z_hbm.at[pl.ds(s * _RPT, _RPT)],
                        agg_sh.at[pl.ds(s * _RPT, _RPT)])
        pltpu.sync_copy(m_hbm.at[pl.ds(s * _RPT, _RPT)],
                        m_sh.at[pl.ds(s * _RPT, _RPT)])
        pltpu.sync_copy(src_hbm.at[wid], src_v)
        pltpu.sync_copy(dst_hbm.at[wid], dst_v)
        plsc.subcore_barrier()

        pltpu.async_copy(m_sh.at[src_v.at[0]], rows_v, sem)

        @pl.loop(0, _K - 2, step=2)
        def _(j):
            pltpu.async_copy(m_sh.at[src_v.at[j + 1]], rows_b, semb)
            pltpu.make_async_copy(m_sh.at[src_v.at[j]], rows_v, sem).wait()
            pltpu.sync_copy(rows_v, agg_sh.at[dst_v.at[j]], add=True)
            pltpu.async_copy(m_sh.at[src_v.at[j + 2]], rows_v, sem)
            pltpu.make_async_copy(m_sh.at[src_v.at[j + 1]], rows_b,
                                  semb).wait()
            pltpu.sync_copy(rows_b, agg_sh.at[dst_v.at[j + 1]], add=True)

        pltpu.async_copy(m_sh.at[src_v.at[_K - 1]], rows_b, semb)
        pltpu.make_async_copy(m_sh.at[src_v.at[_K - 2]], rows_v, sem).wait()
        pltpu.sync_copy(rows_v, agg_sh.at[dst_v.at[_K - 2]], add=True)
        pltpu.make_async_copy(m_sh.at[src_v.at[_K - 1]], rows_b, semb).wait()
        pltpu.sync_copy(rows_b, agg_sh.at[dst_v.at[_K - 1]], add=True)

        plsc.subcore_barrier()
        pltpu.sync_copy(agg_sh.at[pl.ds(s * _RPT, _RPT)],
                        out_hbm.at[c, pl.ds(s * _RPT, _RPT)])

    return k(m, zeros, src3, dst3)


_BF = jnp.bfloat16


def _split2(v):
    hi = v.astype(_BF)
    return hi, (v - hi.astype(_F32)).astype(_BF)


def _odot(ot_bf, v):
    vh, vl = _split2(v)
    return (jnp.dot(ot_bf, vh, preferred_element_type=_F32) +
            jnp.dot(ot_bf, vl, preferred_element_type=_F32))


def _ogather(ot_bf, per_g):
    gh, gl = _split2(per_g)
    dn = (((0,), (0,)), ((), ()))
    return (lax.dot_general(ot_bf, gh, dn, preferred_element_type=_F32) +
            lax.dot_general(ot_bf, gl, dn, preferred_element_type=_F32))


def _dot3(a, b):
    ah, al = _split2(a)
    bh, bl = _split2(b)
    return (jnp.dot(ah, bh, preferred_element_type=_F32) +
            (jnp.dot(ah, bl, preferred_element_type=_F32) +
             jnp.dot(al, bh, preferred_element_type=_F32)))


def _onehot(br):
    n = br.shape[1]
    return (lax.broadcasted_iota(jnp.int32, (_G, n), 0) == br).astype(_BF)


def _norm_stats(xv, ot_bf, ms):
    cnt = jnp.maximum(
        jnp.sum(ot_bf.astype(_F32), axis=1, keepdims=True), 1.0)
    mean = _odot(ot_bf, xv) / cnt
    ex2 = _odot(ot_bf, xv * xv) / cnt
    var = ex2 - mean * mean * (ms * (2.0 - ms))
    return cnt, mean, jnp.sqrt(var + 1e-5)


def _tc_first(x, br, gw, gb, gms, Wr, b1, Ws):
    def body(x_r, br_r, gw_r, gb_r, gms_r, wr_r, b1_r, ws_r, m_o, s_o):
        ot = _onehot(br_r[...])
        _, mean, std = _norm_stats(x_r[...], ot, gms_r[...])
        meanb = _ogather(ot, mean)
        stdb = _ogather(ot, std)
        h = gw_r[...] * (x_r[...] - meanb * gms_r[...]) / stdb + gb_r[...]
        m_o[0:_N, :] = _dot3(h, wr_r[...])
        s_o[...] = _dot3(h, ws_r[...]) + b1_r[...]

    return pl.pallas_call(
        body,
        out_shape=[jax.ShapeDtypeStruct((_NP, _H), _F32),
                   jax.ShapeDtypeStruct((_N, _H), _F32)],
        compiler_params=_TC_PARAMS,
    )(x, br, gw, gb, gms, Wr, b1, Ws)


def _tc_mid(agg, s_in, br, gw, gb, gms, Wr, bn, Ws):
    def body(a_r, s_r, br_r, gw_r, gb_r, gms_r, wr_r, bn_r, ws_r, m_o, s_o):
        h = jnp.maximum(a_r[0, :_N, :] + a_r[1, :_N, :] + s_r[...], 0.0)
        ot = _onehot(br_r[...])
        _, mean, std = _norm_stats(h, ot, gms_r[...])
        meanb = _ogather(ot, mean)
        stdb = _ogather(ot, std)
        hn = gw_r[...] * (h - meanb * gms_r[...]) / stdb + gb_r[...]
        m_o[0:_N, :] = _dot3(hn, wr_r[...])
        s_o[...] = _dot3(hn, ws_r[...]) + bn_r[...]

    return pl.pallas_call(
        body,
        out_shape=[jax.ShapeDtypeStruct((_NP, _H), _F32),
                   jax.ShapeDtypeStruct((_N, _H), _F32)],
        compiler_params=_TC_PARAMS,
    )(agg, s_in, br, gw, gb, gms, Wr, bn, Ws)


def _tc_final(agg, s_in, br, Wd, bd, Wo, bo):
    def body(a_r, s_r, br_r, wd_r, bd_r, wo_r, bo_r, out_o):
        h = jnp.maximum(a_r[0, :_N, :] + a_r[1, :_N, :] + s_r[...], 0.0)
        ot = _onehot(br_r[...])
        cnt = jnp.maximum(
            jnp.sum(ot.astype(_F32), axis=1, keepdims=True), 1.0)
        g = _odot(ot, h) / cnt
        g = jnp.maximum(jnp.dot(g, wd_r[...], precision=_HI) + bd_r[...], 0.0)
        logits = jnp.dot(g, wo_r[...], precision=_HI) + bo_r[...]
        zmax = jnp.max(logits, axis=1, keepdims=True)
        ez = jnp.exp(logits - zmax)
        out_o[...] = ez / jnp.sum(ez, axis=1, keepdims=True)

    return pl.pallas_call(
        body,
        out_shape=jax.ShapeDtypeStruct((_G, _C), _F32),
        compiler_params=_TC_PARAMS,
    )(agg, s_in, br, Wd, bd, Wo, bo)


def kernel(x, edge_index, batch, gn0_w, gn0_b, gn0_ms, W1r, b1, W1s,
           gn1_w, gn1_b, gn1_ms, W2r, b2, W2s, gn2_w, gn2_b, gn2_ms,
           W3r, b3, W3s, Wd, bd, Wo, bo):
    br = batch.reshape(1, _N)
    pad = _NW * _K * _B - _E
    src = jnp.concatenate([edge_index[0], jnp.zeros((pad,), jnp.int32)])
    dst = jnp.concatenate([edge_index[1], jnp.full((pad,), _N, jnp.int32)])
    src3 = src.reshape(_NW, _K, _B)
    dst3 = dst.reshape(_NW, _K, _B)
    zeros = jnp.zeros((_NP, _H), _F32)

    def row(v):
        return v.reshape(1, -1)

    m1, s1 = _tc_first(x, br, row(gn0_w), row(gn0_b), row(gn0_ms),
                       W1r, row(b1), W1s)
    agg1 = _edge_agg(m1, zeros, src3, dst3)
    m2, s2 = _tc_mid(agg1, s1, br, row(gn1_w), row(gn1_b), row(gn1_ms),
                     W2r, row(b2), W2s)
    agg2 = _edge_agg(m2, zeros, src3, dst3)
    m3, s3 = _tc_mid(agg2, s2, br, row(gn2_w), row(gn2_b), row(gn2_ms),
                     W3r, row(b3), W3s)
    agg3 = _edge_agg(m3, zeros, src3, dst3)
    return _tc_final(agg3, s3, br, Wd, bd, Wo, bo)

# --- scband reference (transcript-rebuilt; emitter-appended) ---
"""Pipeline reference for scband-gnn-19825569038772 (READ-ONLY COPY).

The authoritative reference and input builder live on the scoring server;
editing this copy changes nothing except your own understanding.
"""

import jax, jax.numpy as jnp
import numpy as np

N = 10000
E = 320000
F_IN = 128
H = 64
C = 10
G = 128

def setup_inputs(seed: int = 0):
    key = jax.random.key(seed)
    ks = jax.random.split(key, 16)
    x = jax.random.normal(ks[0], (N, F_IN), dtype=jnp.float32)
    edge_index = jax.random.randint(ks[1], (2, E), 0, N, dtype=jnp.int32)
    batch = jnp.sort(jax.random.randint(ks[2], (N,), 0, G, dtype=jnp.int32))
    def lin(k, fi, fo):
        return jax.random.normal(k, (fi, fo), dtype=jnp.float32) * (1.0 / np.sqrt(fi))
    return {
        'x': x, 'edge_index': edge_index, 'batch': batch,
        'gn0_w': jnp.ones((F_IN,), jnp.float32), 'gn0_b': jnp.zeros((F_IN,), jnp.float32), 'gn0_ms': jnp.ones((F_IN,), jnp.float32),
        'W1r': lin(ks[3], F_IN, H), 'b1': jnp.zeros((H,), jnp.float32), 'W1s': lin(ks[4], F_IN, H),
        'gn1_w': jnp.ones((H,), jnp.float32), 'gn1_b': jnp.zeros((H,), jnp.float32), 'gn1_ms': jnp.ones((H,), jnp.float32),
        'W2r': lin(ks[5], H, H), 'b2': jnp.zeros((H,), jnp.float32), 'W2s': lin(ks[6], H, H),
        'gn2_w': jnp.ones((H,), jnp.float32), 'gn2_b': jnp.zeros((H,), jnp.float32), 'gn2_ms': jnp.ones((H,), jnp.float32),
        'W3r': lin(ks[7], H, H), 'b3': jnp.zeros((H,), jnp.float32), 'W3s': lin(ks[8], H, H),
        'Wd': lin(ks[9], H, H), 'bd': jnp.zeros((H,), jnp.float32),
        'Wo': lin(ks[10], H, C), 'bo': jnp.zeros((C,), jnp.float32),
    }

def _graph_norm(xv, batch, w, b, ms):
    cnt = jax.ops.segment_sum(jnp.ones((xv.shape[0],), jnp.float32), batch, num_segments=G)
    cnt = jnp.maximum(cnt, 1.0)[:, None]
    mean = jax.ops.segment_sum(xv, batch, num_segments=G) / cnt
    out = xv - mean[batch] * ms
    var = jax.ops.segment_sum(out * out, batch, num_segments=G) / cnt
    std = jnp.sqrt(var + 1e-5)[batch]
    return w * out / std + b

def _graph_conv(xv, src, dst, Wr, br, Ws):
    agg = jax.ops.segment_sum(xv[src], dst, num_segments=xv.shape[0])
    return agg @ Wr + br + xv @ Ws

def _forward(x, edge_index, batch, gn0_w, gn0_b, gn0_ms, W1r, b1, W1s, gn1_w, gn1_b, gn1_ms, W2r, b2, W2s, gn2_w, gn2_b, gn2_ms, W3r, b3, W3s, Wd, bd, Wo, bo):
    src, dst = edge_index[0], edge_index[1]
    h = _graph_norm(x, batch, gn0_w, gn0_b, gn0_ms)
    h = jax.nn.relu(_graph_conv(h, src, dst, W1r, b1, W1s))
    h = _graph_norm(h, batch, gn1_w, gn1_b, gn1_ms)
    h = jax.nn.relu(_graph_conv(h, src, dst, W2r, b2, W2s))
    h = _graph_norm(h, batch, gn2_w, gn2_b, gn2_ms)
    h = jax.nn.relu(_graph_conv(h, src, dst, W3r, b3, W3s))
    cnt = jnp.maximum(jax.ops.segment_sum(jnp.ones((h.shape[0],), jnp.float32), batch, num_segments=G), 1.0)[:, None]
    g = jax.ops.segment_sum(h, batch, num_segments=G) / cnt
    g = jax.nn.relu(g @ Wd + bd)
    logits = g @ Wo + bo
    return jax.nn.softmax(logits, axis=1)

def reference(x, edge_index, batch, gn0_w, gn0_b, gn0_ms, W1r, b1, W1s, gn1_w, gn1_b, gn1_ms, W2r, b2, W2s, gn2_w, gn2_b, gn2_ms, W3r, b3, W3s, Wd, bd, Wo, bo):
    return _forward(x, edge_index, batch, gn0_w, gn0_b, gn0_ms, W1r, b1, W1s, gn1_w, gn1_b, gn1_ms, W2r, b2, W2s, gn2_w, gn2_b, gn2_ms, W3r, b3, W3s, Wd, bd, Wo, bo)

if __name__ == "__main__":
    import jax
    _d = setup_inputs()
    print(jax.jit(kernel)(*tuple(_d.values())))

</pallas_src>

<mosaic_0001>
#map = affine_map<(d0, d1) -> (0, 0)>
#map1 = affine_map<(d0, d1) -> (0, 0, 0)>
module attributes {stable_mosaic.version = 14 : i64} {
  func.func @k(%arg0: i32, %arg1: i32, %arg2: memref<10112x64xf32, #tpu.memory_space<hbm>>, %arg3: memref<10112x64xf32, #tpu.memory_space<hbm>>, %arg4: memref<32x80x128xi32, #tpu.memory_space<hbm>>, %arg5: memref<32x80x128xi32, #tpu.memory_space<hbm>>, %arg6: memref<2x10112x64xf32, #tpu.memory_space<hbm>>, %arg7: memref<80x128xi32, #tpu.memory_space<vmem>>, %arg8: memref<80x128xi32, #tpu.memory_space<vmem>>, %arg9: memref<128x64xf32, #tpu.memory_space<vmem>>, %arg10: memref<128x64xf32, #tpu.memory_space<vmem>>, %arg11: memref<10112x64xf32, #tpu.memory_space<vmem_shared>>, %arg12: memref<10112x64xf32, #tpu.memory_space<vmem_shared>>, %arg13: memref<!tpu.dma_semaphore, #tpu.memory_space<semaphore_mem>>, %arg14: memref<!tpu.dma_semaphore, #tpu.memory_space<semaphore_mem>>) attributes {dimension_semantics = [#tpu.dimension_semantics<core_parallel>, #tpu.dimension_semantics<subcore_parallel>], iteration_bounds = array<i64: 2, 16>, scalar_prefetch = 0 : i64, scratch_operands = 8 : i64, tpu.core_type = #tpu.core_type<sc_vector_subcore>, window_params = [{transform_indices = #map}, {transform_indices = #map}, {transform_indices = #map1}, {transform_indices = #map1}, {transform_indices = #map1}]} {
    %mul3A = arith.constant 2 : i32
    %mul3A_0 = arith.muli %arg1, %mul3A : i32
    %add3A = arith.addi %mul3A_0, %arg0 : i32
    %mul3A_1 = arith.constant 632 : i32
    %mul3A_2 = arith.muli %arg1, %mul3A_1 : i32
    %mul3A_3 = arith.constant 632 : i32
    %mul3A_4 = arith.muli %arg1, %mul3A_3 : i32
    "tpu.region"() ({
      %run_scoped3A_45 = tpu.sem_alloc : memref<!tpu.dma_semaphore, #tpu.memory_space<semaphore_mem>>
      %dma_start3A_46 = arith.constant 0 : i32
      %dma_start3A_47 = tpu.memref_slice %arg12[%mul3A_4, %dma_start3A_46] : memref<10112x64xf32, #tpu.memory_space<vmem_shared>> -> memref<632x64xf32, #tpu.memory_space<vmem_shared>>
      %dma_start3A_48 = arith.constant 0 : i32
      %dma_start3A_49 = tpu.memref_slice %arg3[%mul3A_2, %dma_start3A_48] : memref<10112x64xf32, #tpu.memory_space<hbm>> -> memref<632x64xf32, #tpu.memory_space<hbm>>
      tpu.enqueue_dma source(%dma_start3A_49 : memref<632x64xf32, #tpu.memory_space<hbm>>) target(%dma_start3A_47 : memref<632x64xf32, #tpu.memory_space<vmem_shared>>) target_semaphore(%run_scoped3A_45 : memref<!tpu.dma_semaphore, #tpu.memory_space<semaphore_mem>>)
      %dma_wait3A_50 = arith.constant 0 : i32
      %dma_wait3A_51 = tpu.memref_slice %arg12[%mul3A_4, %dma_wait3A_50] : memref<10112x64xf32, #tpu.memory_space<vmem_shared>> -> memref<632x64xf32, #tpu.memory_space<vmem_shared>>
      %dma_wait3A_52 = arith.constant 0 : i32
      %dma_wait3A_53 = tpu.memref_slice %arg3[%mul3A_2, %dma_wait3A_52] : memref<10112x64xf32, #tpu.memory_space<hbm>> -> memref<632x64xf32, #tpu.memory_space<hbm>>
      tpu.wait_dma2 semaphore(%run_scoped3A_45 : memref<!tpu.dma_semaphore, #tpu.memory_space<semaphore_mem>>) src(%dma_wait3A_53 : memref<632x64xf32, #tpu.memory_space<hbm>>) dst(%dma_wait3A_51 : memref<632x64xf32, #tpu.memory_space<vmem_shared>>)
      tpu.yield
    }) : () -> ()
    %mul3A_5 = arith.constant 632 : i32
    %mul3A_6 = arith.muli %arg1, %mul3A_5 : i32
    %mul3A_7 = arith.constant 632 : i32
    %mul3A_8 = arith.muli %arg1, %mul3A_7 : i32
    "tpu.region"() ({
      %run_scoped3A_45 = tpu.sem_alloc : memref<!tpu.dma_semaphore, #tpu.memory_space<semaphore_mem>>
      %dma_start3A_46 = arith.constant 0 : i32
      %dma_start3A_47 = tpu.memref_slice %arg11[%mul3A_8, %dma_start3A_46] : memref<10112x64xf32, #tpu.memory_space<vmem_shared>> -> memref<632x64xf32, #tpu.memory_space<vmem_shared>>
      %dma_start3A_48 = arith.constant 0 : i32
      %dma_start3A_49 = tpu.memref_slice %arg2[%mul3A_6, %dma_start3A_48] : memref<10112x64xf32, #tpu.memory_space<hbm>> -> memref<632x64xf32, #tpu.memory_space<hbm>>
      tpu.enqueue_dma source(%dma_start3A_49 : memref<632x64xf32, #tpu.memory_space<hbm>>) target(%dma_start3A_47 : memref<632x64xf32, #tpu.memory_space<vmem_shared>>) target_semaphore(%run_scoped3A_45 : memref<!tpu.dma_semaphore, #tpu.memory_space<semaphore_mem>>)
      %dma_wait3A_50 = arith.constant 0 : i32
      %dma_wait3A_51 = tpu.memref_slice %arg11[%mul3A_8, %dma_wait3A_50] : memref<10112x64xf32, #tpu.memory_space<vmem_shared>> -> memref<632x64xf32, #tpu.memory_space<vmem_shared>>
      %dma_wait3A_52 = arith.constant 0 : i32
      %dma_wait3A_53 = tpu.memref_slice %arg2[%mul3A_6, %dma_wait3A_52] : memref<10112x64xf32, #tpu.memory_space<hbm>> -> memref<632x64xf32, #tpu.memory_space<hbm>>
      tpu.wait_dma2 semaphore(%run_scoped3A_45 : memref<!tpu.dma_semaphore, #tpu.memory_space<semaphore_mem>>) src(%dma_wait3A_53 : memref<632x64xf32, #tpu.memory_space<hbm>>) dst(%dma_wait3A_51 : memref<632x64xf32, #tpu.memory_space<vmem_shared>>)
      tpu.yield
    }) : () -> ()
    "tpu.region"() ({
      %run_scoped3A_45 = tpu.sem_alloc : memref<!tpu.dma_semaphore, #tpu.memory_space<semaphore_mem>>
      %dma_start3A_46 = arith.constant 0 : i32
      %dma_start3A_47 = arith.constant 0 : i32
      %dma_start3A_48 = tpu.memref_slice %arg4[%add3A, %dma_start3A_46, %dma_start3A_47] : memref<32x80x128xi32, #tpu.memory_space<hbm>> -> memref<1x80x128xi32, #tpu.memory_space<hbm>>
      %dma_start3A_49 = tpu.memref_squeeze %dma_start3A_48 : memref<1x80x128xi32, #tpu.memory_space<hbm>> -> memref<80x128xi32, #tpu.memory_space<hbm>>
      %dma_start3A_50 = arith.constant 0 : i32
      %dma_start3A_51 = arith.constant 0 : i32
      %dma_start3A_52 = tpu.memref_slice %arg4[%add3A, %dma_start3A_50, %dma_start3A_51] : memref<32x80x128xi32, #tpu.memory_space<hbm>> -> memref<1x80x128xi32, #tpu.memory_space<hbm>>
      %dma_start3A_53 = tpu.memref_squeeze %dma_start3A_52 : memref<1x80x128xi32, #tpu.memory_space<hbm>> -> memref<80x128xi32, #tpu.memory_space<hbm>>
      tpu.enqueue_dma source(%dma_start3A_53 : memref<80x128xi32, #tpu.memory_space<hbm>>) target(%arg7 : memref<80x128xi32, #tpu.memory_space<vmem>>) target_semaphore(%run_scoped3A_45 : memref<!tpu.dma_semaphore, #tpu.memory_space<semaphore_mem>>)
      %dma_wait3A_54 = arith.constant 0 : i32
      %dma_wait3A_55 = arith.constant 0 : i32
      %dma_wait3A_56 = tpu.memref_slice %arg4[%add3A, %dma_wait3A_54, %dma_wait3A_55] : memref<32x80x128xi32, #tpu.memory_space<hbm>> -> memref<1x80x128xi32, #tpu.memory_space<hbm>>
      %dma_wait3A_57 = tpu.memref_squeeze %dma_wait3A_56 : memref<1x80x128xi32, #tpu.memory_space<hbm>> -> memref<80x128xi32, #tpu.memory_space<hbm>>
      %dma_wait3A_58 = arith.constant 0 : i32
      %dma_wait3A_59 = arith.constant 0 : i32
      %dma_wait3A_60 = tpu.memref_slice %arg4[%add3A, %dma_wait3A_58, %dma_wait3A_59] : memref<32x80x128xi32, #tpu.memory_space<hbm>> -> memref<1x80x128xi32, #tpu.memory_space<hbm>>
      %dma_wait3A_61 = tpu.memref_squeeze %dma_wait3A_60 : memref<1x80x128xi32, #tpu.memory_space<hbm>> -> memref<80x128xi32, #tpu.memory_space<hbm>>
      tpu.wait_dma2 semaphore(%run_scoped3A_45 : memref<!tpu.dma_semaphore, #tpu.memory_space<semaphore_mem>>) src(%dma_wait3A_61 : memref<80x128xi32, #tpu.memory_space<hbm>>) dst(%arg7 : memref<80x128xi32, #tpu.memory_space<vmem>>)
      tpu.yield
    }) : () -> ()
    "tpu.region"() ({
      %run_scoped3A_45 = tpu.sem_alloc : memref<!tpu.dma_semaphore, #tpu.memory_space<semaphore_mem>>
      %dma_start3A_46 = arith.constant 0 : i32
      %dma_start3A_47 = arith.constant 0 : i32
      %dma_start3A_48 = tpu.memref_slice %arg5[%add3A, %dma_start3A_46, %dma_start3A_47] : memref<32x80x128xi32, #tpu.memory_space<hbm>> -> memref<1x80x128xi32, #tpu.memory_space<hbm>>
      %dma_start3A_49 = tpu.memref_squeeze %dma_start3A_48 : memref<1x80x128xi32, #tpu.memory_space<hbm>> -> memref<80x128xi32, #tpu.memory_space<hbm>>
      %dma_start3A_50 = arith.constant 0 : i32
      %dma_start3A_51 = arith.constant 0 : i32
      %dma_start3A_52 = tpu.memref_slice %arg5[%add3A, %dma_start3A_50, %dma_start3A_51] : memref<32x80x128xi32, #tpu.memory_space<hbm>> -> memref<1x80x128xi32, #tpu.memory_space<hbm>>
      %dma_start3A_53 = tpu.memref_squeeze %dma_start3A_52 : memref<1x80x128xi32, #tpu.memory_space<hbm>> -> memref<80x128xi32, #tpu.memory_space<hbm>>
      tpu.enqueue_dma source(%dma_start3A_53 : memref<80x128xi32, #tpu.memory_space<hbm>>) target(%arg8 : memref<80x128xi32, #tpu.memory_space<vmem>>) target_semaphore(%run_scoped3A_45 : memref<!tpu.dma_semaphore, #tpu.memory_space<semaphore_mem>>)
      %dma_wait3A_54 = arith.constant 0 : i32
      %dma_wait3A_55 = arith.constant 0 : i32
      %dma_wait3A_56 = tpu.memref_slice %arg5[%add3A, %dma_wait3A_54, %dma_wait3A_55] : memref<32x80x128xi32, #tpu.memory_space<hbm>> -> memref<1x80x128xi32, #tpu.memory_space<hbm>>
      %dma_wait3A_57 = tpu.memref_squeeze %dma_wait3A_56 : memref<1x80x128xi32, #tpu.memory_space<hbm>> -> memref<80x128xi32, #tpu.memory_space<hbm>>
      %dma_wait3A_58 = arith.constant 0 : i32
      %dma_wait3A_59 = arith.constant 0 : i32
      %dma_wait3A_60 = tpu.memref_slice %arg5[%add3A, %dma_wait3A_58, %dma_wait3A_59] : memref<32x80x128xi32, #tpu.memory_space<hbm>> -> memref<1x80x128xi32, #tpu.memory_space<hbm>>
      %dma_wait3A_61 = tpu.memref_squeeze %dma_wait3A_60 : memref<1x80x128xi32, #tpu.memory_space<hbm>> -> memref<80x128xi32, #tpu.memory_space<hbm>>
      tpu.wait_dma2 semaphore(%run_scoped3A_45 : memref<!tpu.dma_semaphore, #tpu.memory_space<semaphore_mem>>) src(%dma_wait3A_61 : memref<80x128xi32, #tpu.memory_space<hbm>>) dst(%arg8 : memref<80x128xi32, #tpu.memory_space<vmem>>)
      tpu.yield
    }) : () -> ()
    %barrier3A = arith.constant 0 : index
    tpu.barrier barrier_id(%barrier3A)
    %dma_start3A = arith.constant 0 : i32
    %dma_start3A_9 = arith.constant 0 : i32
    %dma_start3A_10 = tpu.memref_slice %arg7[%dma_start3A, %dma_start3A_9] : memref<80x128xi32, #tpu.memory_space<vmem>> -> memref<1x128xi32, #tpu.memory_space<vmem>>
    %dma_start3A_11 = tpu.memref_squeeze %dma_start3A_10 : memref<1x128xi32, #tpu.memory_space<vmem>> -> memref<128xi32, #tpu.memory_space<vmem>>
    %dma_start3A_12 = arith.constant 0 : i32
    %dma_start3A_13 = arith.constant 0 : i32
    %dma_start3A_14 = tpu.memref_slice %arg11[%dma_start3A_12, %dma_start3A_13] : memref<10112x64xf32, #tpu.memory_space<vmem_shared>> -> memref<10112x64xf32, #tpu.memory_space<vmem_shared>>
    tpu.enqueue_indirect_dma source(%dma_start3A_14 : memref<10112x64xf32, #tpu.memory_space<vmem_shared>>) target(%arg9 : memref<128x64xf32, #tpu.memory_space<vmem>>) offsets(%dma_start3A_11 : memref<128xi32, #tpu.memory_space<vmem>>) semaphore(%arg13 : memref<!tpu.dma_semaphore, #tpu.memory_space<semaphore_mem>>)
    %scan3A = arith.constant 0 : i32
    %scan3A_15 = arith.constant 39 : i32
    %scan3A_16 = arith.addi %scan3A, %scan3A_15 : i32
    %scan3A_17 = arith.constant 1 : i32
    scf.for %scan3A_45 = %scan3A to %scan3A_16 step %scan3A_17  : i32 {
      %mul3A_46 = arith.constant 2 : i32
      %mul3A_47 = arith.muli %scan3A_45, %mul3A_46 : i32
      %add3A_48 = arith.constant 0 : i32
      %add3A_49 = arith.addi %add3A_48, %mul3A_47 : i32
      %add3A_50 = arith.constant 1 : i32
      %add3A_51 = arith.addi %add3A_49, %add3A_50 : i32
      %dma_start3A_52 = arith.constant 0 : i32
      %dma_start3A_53 = tpu.memref_slice %arg7[%add3A_51, %dma_start3A_52] : memref<80x128xi32, #tpu.memory_space<vmem>> -> memref<1x128xi32, #tpu.memory_space<vmem>>
      %dma_start3A_54 = tpu.memref_squeeze %dma_start3A_53 : memref<1x128xi32, #tpu.memory_space<vmem>> -> memref<128xi32, #tpu.memory_space<vmem>>
      %dma_start3A_55 = arith.constant 0 : i32
      %dma_start3A_56 = arith.constant 0 : i32
      %dma_start3A_57 = tpu.memref_slice %arg11[%dma_start3A_55, %dma_start3A_56] : memref<10112x64xf32, #tpu.memory_space<vmem_shared>> -> memref<10112x64xf32, #tpu.memory_space<vmem_shared>>
      tpu.enqueue_indirect_dma source(%dma_start3A_57 : memref<10112x64xf32, #tpu.memory_space<vmem_shared>>) target(%arg10 : memref<128x64xf32, #tpu.memory_space<vmem>>) offsets(%dma_start3A_54 : memref<128xi32, #tpu.memory_space<vmem>>) semaphore(%arg14 : memref<!tpu.dma_semaphore, #tpu.memory_space<semaphore_mem>>)
      %dma_wait3A_58 = arith.constant 0 : i32
      %dma_wait3A_59 = tpu.memref_slice %arg7[%add3A_49, %dma_wait3A_58] : memref<80x128xi32, #tpu.memory_space<vmem>> -> memref<1x128xi32, #tpu.memory_space<vmem>>
      %dma_wait3A_60 = tpu.memref_squeeze %dma_wait3A_59 : memref<1x128xi32, #tpu.memory_space<vmem>> -> memref<128xi32, #tpu.memory_space<vmem>>
      %dma_wait3A_61 = arith.constant 0 : i32
      %dma_wait3A_62 = arith.constant 0 : i32
      %dma_wait3A_63 = tpu.memref_slice %arg11[%dma_wait3A_61, %dma_wait3A_62] : memref<10112x64xf32, #tpu.memory_space<vmem_shared>> -> memref<10112x64xf32, #tpu.memory_space<vmem_shared>>
      tpu.wait_indirect_dma semaphore(%arg13 : memref<!tpu.dma_semaphore, #tpu.memory_space<semaphore_mem>>) src(%dma_wait3A_63 : memref<10112x64xf32, #tpu.memory_space<vmem_shared>>) dst(%arg9 : memref<128x64xf32, #tpu.memory_space<vmem>>)
      "tpu.region"() ({
        %run_scoped3A_82 = tpu.sem_alloc : memref<!tpu.dma_semaphore, #tpu.memory_space<semaphore_mem>>
        %dma_start3A_83 = arith.constant 0 : i32
        %dma_start3A_84 = tpu.memref_slice %arg8[%add3A_49, %dma_start3A_83] : memref<80x128xi32, #tpu.memory_space<vmem>> -> memref<1x128xi32, #tpu.memory_space<vmem>>
        %dma_start3A_85 = tpu.memref_squeeze %dma_start3A_84 : memref<1x128xi32, #tpu.memory_space<vmem>> -> memref<128xi32, #tpu.memory_space<vmem>>
        %dma_start3A_86 = arith.constant 0 : i32
        %dma_start3A_87 = arith.constant 0 : i32
        %dma_start3A_88 = tpu.memref_slice %arg12[%dma_start3A_86, %dma_start3A_87] : memref<10112x64xf32, #tpu.memory_space<vmem_shared>> -> memref<10112x64xf32, #tpu.memory_space<vmem_shared>>
        tpu.enqueue_indirect_dma source(%arg9 : memref<128x64xf32, #tpu.memory_space<vmem>>) target(%dma_start3A_88 : memref<10112x64xf32, #tpu.memory_space<vmem_shared>>) offsets(%dma_start3A_85 : memref<128xi32, #tpu.memory_space<vmem>>) semaphore(%run_scoped3A_82 : memref<!tpu.dma_semaphore, #tpu.memory_space<semaphore_mem>>) {add = true}
        %dma_wait3A_89 = arith.constant 0 : i32
        %dma_wait3A_90 = tpu.memref_slice %arg8[%add3A_49, %dma_wait3A_89] : memref<80x128xi32, #tpu.memory_space<vmem>> -> memref<1x128xi32, #tpu.memory_space<vmem>>
        %dma_wait3A_91 = tpu.memref_squeeze %dma_wait3A_90 : memref<1x128xi32, #tpu.memory_space<vmem>> -> memref<128xi32, #tpu.memory_space<vmem>>
        %dma_wait3A_92 = arith.constant 0 : i32
        %dma_wait3A_93 = arith.constant 0 : i32
        %dma_wait3A_94 = tpu.memref_slice %arg12[%dma_wait3A_92, %dma_wait3A_93] : memref<10112x64xf32, #tpu.memory_space<vmem_shared>> -> memref<10112x64xf32, #tpu.memory_space<vmem_shared>>
        tpu.wait_indirect_dma semaphore(%run_scoped3A_82 : memref<!tpu.dma_semaphore, #tpu.memory_space<semaphore_mem>>) src(%arg9 : memref<128x64xf32, #tpu.memory_space<vmem>>) dst(%dma_wait3A_94 : memref<10112x64xf32, #tpu.memory_space<vmem_shared>>)
        tpu.yield
      }) : () -> ()
      %add3A_64 = arith.constant 2 : i32
      %add3A_65 = arith.addi %add3A_49, %add3A_64 : i32
      %dma_start3A_66 = arith.constant 0 : i32
      %dma_start3A_67 = tpu.memref_slice %arg7[%add3A_65, %dma_start3A_66] : memref<80x128xi32, #tpu.memory_space<vmem>> -> memref<1x128xi32, #tpu.memory_space<vmem>>
      %dma_start3A_68 = tpu.memref_squeeze %dma_start3A_67 : memref<1x128xi32, #tpu.memory_space<vmem>> -> memref<128xi32, #tpu.memory_space<vmem>>
      %dma_start3A_69 = arith.constant 0 : i32
      %dma_start3A_70 = arith.constant 0 : i32
      %dma_start3A_71 = tpu.memref_slice %arg11[%dma_start3A_69, %dma_start3A_70] : memref<10112x64xf32, #tpu.memory_space<vmem_shared>> -> memref<10112x64xf32, #tpu.memory_space<vmem_shared>>
      tpu.enqueue_indirect_dma source(%dma_start3A_71 : memref<10112x64xf32, #tpu.memory_space<vmem_shared>>) target(%arg9 : memref<128x64xf32, #tpu.memory_space<vmem>>) offsets(%dma_start3A_68 : memref<128xi32, #tpu.memory_space<vmem>>) semaphore(%arg13 : memref<!tpu.dma_semaphore, #tpu.memory_space<semaphore_mem>>)
      %add3A_72 = arith.constant 1 : i32
      %add3A_73 = arith.addi %add3A_49, %add3A_72 : i32
      %dma_wait3A_74 = arith.constant 0 : i32
      %dma_wait3A_75 = tpu.memref_slice %arg7[%add3A_73, %dma_wait3A_74] : memref<80x128xi32, #tpu.memory_space<vmem>> -> memref<1x128xi32, #tpu.memory_space<vmem>>
      %dma_wait3A_76 = tpu.memref_squeeze %dma_wait3A_75 : memref<1x128xi32, #tpu.memory_space<vmem>> -> memref<128xi32, #tpu.memory_space<vmem>>
      %dma_wait3A_77 = arith.constant 0 : i32
      %dma_wait3A_78 = arith.constant 0 : i32
      %dma_wait3A_79 = tpu.memref_slice %arg11[%dma_wait3A_77, %dma_wait3A_78] : memref<10112x64xf32, #tpu.memory_space<vmem_shared>> -> memref<10112x64xf32, #tpu.memory_space<vmem_shared>>
      tpu.wait_indirect_dma semaphore(%arg14 : memref<!tpu.dma_semaphore, #tpu.memory_space<semaphore_mem>>) src(%dma_wait3A_79 : memref<10112x64xf32, #tpu.memory_space<vmem_shared>>) dst(%arg10 : memref<128x64xf32, #tpu.memory_space<vmem>>)
      %add3A_80 = arith.constant 1 : i32
      %add3A_81 = arith.addi %add3A_49, %add3A_80 : i32
      "tpu.region"() ({
        %run_scoped3A_82 = tpu.sem_alloc : memref<!tpu.dma_semaphore, #tpu.memory_space<semaphore_mem>>
        %dma_start3A_83 = arith.constant 0 : i32
        %dma_start3A_84 = tpu.memref_slice %arg8[%add3A_81, %dma_start3A_83] : memref<80x128xi32, #tpu.memory_space<vmem>> -> memref<1x128xi32, #tpu.memory_space<vmem>>
        %dma_start3A_85 = tpu.memref_squeeze %dma_start3A_84 : memref<1x128xi32, #tpu.memory_space<vmem>> -> memref<128xi32, #tpu.memory_space<vmem>>
        %dma_start3A_86 = arith.constant 0 : i32
        %dma_start3A_87 = arith.constant 0 : i32
        %dma_start3A_88 = tpu.memref_slice %arg12[%dma_start3A_86, %dma_start3A_87] : memref<10112x64xf32, #tpu.memory_space<vmem_shared>> -> memref<10112x64xf32, #tpu.memory_space<vmem_shared>>
        tpu.enqueue_indirect_dma source(%arg10 : memref<128x64xf32, #tpu.memory_space<vmem>>) target(%dma_start3A_88 : memref<10112x64xf32, #tpu.memory_space<vmem_shared>>) offsets(%dma_start3A_85 : memref<128xi32, #tpu.memory_space<vmem>>) semaphore(%run_scoped3A_82 : memref<!tpu.dma_semaphore, #tpu.memory_space<semaphore_mem>>) {add = true}
        %dma_wait3A_89 = arith.constant 0 : i32
        %dma_wait3A_90 = tpu.memref_slice %arg8[%add3A_81, %dma_wait3A_89] : memref<80x128xi32, #tpu.memory_space<vmem>> -> memref<1x128xi32, #tpu.memory_space<vmem>>
        %dma_wait3A_91 = tpu.memref_squeeze %dma_wait3A_90 : memref<1x128xi32, #tpu.memory_space<vmem>> -> memref<128xi32, #tpu.memory_space<vmem>>
        %dma_wait3A_92 = arith.constant 0 : i32
        %dma_wait3A_93 = arith.constant 0 : i32
        %dma_wait3A_94 = tpu.memref_slice %arg12[%dma_wait3A_92, %dma_wait3A_93] : memref<10112x64xf32, #tpu.memory_space<vmem_shared>> -> memref<10112x64xf32, #tpu.memory_space<vmem_shared>>
        tpu.wait_indirect_dma semaphore(%run_scoped3A_82 : memref<!tpu.dma_semaphore, #tpu.memory_space<semaphore_mem>>) src(%arg10 : memref<128x64xf32, #tpu.memory_space<vmem>>) dst(%dma_wait3A_94 : memref<10112x64xf32, #tpu.memory_space<vmem_shared>>)
        tpu.yield
      }) : () -> ()
    }
    %scan3A_18 = arith.constant 39 : i32
    %dma_start3A_19 = arith.constant 79 : i32
    %dma_start3A_20 = arith.constant 0 : i32
    %dma_start3A_21 = tpu.memref_slice %arg7[%dma_start3A_19, %dma_start3A_20] : memref<80x128xi32, #tpu.memory_space<vmem>> -> memref<1x128xi32, #tpu.memory_space<vmem>>
    %dma_start3A_22 = tpu.memref_squeeze %dma_start3A_21 : memref<1x128xi32, #tpu.memory_space<vmem>> -> memref<128xi32, #tpu.memory_space<vmem>>
    %dma_start3A_23 = arith.constant 0 : i32
    %dma_start3A_24 = arith.constant 0 : i32
    %dma_start3A_25 = tpu.memref_slice %arg11[%dma_start3A_23, %dma_start3A_24] : memref<10112x64xf32, #tpu.memory_space<vmem_shared>> -> memref<10112x64xf32, #tpu.memory_space<vmem_shared>>
    tpu.enqueue_indirect_dma source(%dma_start3A_25 : memref<10112x64xf32, #tpu.memory_space<vmem_shared>>) target(%arg10 : memref<128x64xf32, #tpu.memory_space<vmem>>) offsets(%dma_start3A_22 : memref<128xi32, #tpu.memory_space<vmem>>) semaphore(%arg14 : memref<!tpu.dma_semaphore, #tpu.memory_space<semaphore_mem>>)
    %dma_wait3A = arith.constant 78 : i32
    %dma_wait3A_26 = arith.constant 0 : i32
    %dma_wait3A_27 = tpu.memref_slice %arg7[%dma_wait3A, %dma_wait3A_26] : memref<80x128xi32, #tpu.memory_space<vmem>> -> memref<1x128xi32, #tpu.memory_space<vmem>>
    %dma_wait3A_28 = tpu.memref_squeeze %dma_wait3A_27 : memref<1x128xi32, #tpu.memory_space<vmem>> -> memref<128xi32, #tpu.memory_space<vmem>>
    %dma_wait3A_29 = arith.constant 0 : i32
    %dma_wait3A_30 = arith.constant 0 : i32
    %dma_wait3A_31 = tpu.memref_slice %arg11[%dma_wait3A_29, %dma_wait3A_30] : memref<10112x64xf32, #tpu.memory_space<vmem_shared>> -> memref<10112x64xf32, #tpu.memory_space<vmem_shared>>
    tpu.wait_indirect_dma semaphore(%arg13 : memref<!tpu.dma_semaphore, #tpu.memory_space<semaphore_mem>>) src(%dma_wait3A_31 : memref<10112x64xf32, #tpu.memory_space<vmem_shared>>) dst(%arg9 : memref<128x64xf32, #tpu.memory_space<vmem>>)
    %run_scoped3A = arith.constant 78 : i32
    "tpu.region"() ({
      %run_scoped3A_45 = tpu.sem_alloc : memref<!tpu.dma_semaphore, #tpu.memory_space<semaphore_mem>>
      %dma_start3A_46 = arith.constant 0 : i32
      %dma_start3A_47 = tpu.memref_slice %arg8[%run_scoped3A, %dma_start3A_46] : memref<80x128xi32, #tpu.memory_space<vmem>> -> memref<1x128xi32, #tpu.memory_space<vmem>>
      %dma_start3A_48 = tpu.memref_squeeze %dma_start3A_47 : memref<1x128xi32, #tpu.memory_space<vmem>> -> memref<128xi32, #tpu.memory_space<vmem>>
      %dma_start3A_49 = arith.constant 0 : i32
      %dma_start3A_50 = arith.constant 0 : i32
      %dma_start3A_51 = tpu.memref_slice %arg12[%dma_start3A_49, %dma_start3A_50] : memref<10112x64xf32, #tpu.memory_space<vmem_shared>> -> memref<10112x64xf32, #tpu.memory_space<vmem_shared>>
      tpu.enqueue_indirect_dma source(%arg9 : memref<128x64xf32, #tpu.memory_space<vmem>>) target(%dma_start3A_51 : memref<10112x64xf32, #tpu.memory_space<vmem_shared>>) offsets(%dma_start3A_48 : memref<128xi32, #tpu.memory_space<vmem>>) semaphore(%run_scoped3A_45 : memref<!tpu.dma_semaphore, #tpu.memory_space<semaphore_mem>>) {add = true}
      %dma_wait3A_52 = arith.constant 0 : i32
      %dma_wait3A_53 = tpu.memref_slice %arg8[%run_scoped3A, %dma_wait3A_52] : memref<80x128xi32, #tpu.memory_space<vmem>> -> memref<1x128xi32, #tpu.memory_space<vmem>>
      %dma_wait3A_54 = tpu.memref_squeeze %dma_wait3A_53 : memref<1x128xi32, #tpu.memory_space<vmem>> -> memref<128xi32, #tpu.memory_space<vmem>>
      %dma_wait3A_55 = arith.constant 0 : i32
      %dma_wait3A_56 = arith.constant 0 : i32
      %dma_wait3A_57 = tpu.memref_slice %arg12[%dma_wait3A_55, %dma_wait3A_56] : memref<10112x64xf32, #tpu.memory_space<vmem_shared>> -> memref<10112x64xf32, #tpu.memory_space<vmem_shared>>
      tpu.wait_indirect_dma semaphore(%run_scoped3A_45 : memref<!tpu.dma_semaphore, #tpu.memory_space<semaphore_mem>>) src(%arg9 : memref<128x64xf32, #tpu.memory_space<vmem>>) dst(%dma_wait3A_57 : memref<10112x64xf32, #tpu.memory_space<vmem_shared>>)
      tpu.yield
    }) : () -> ()
    %dma_wait3A_32 = arith.constant 79 : i32
    %dma_wait3A_33 = arith.constant 0 : i32
    %dma_wait3A_34 = tpu.memref_slice %arg7[%dma_wait3A_32, %dma_wait3A_33] : memref<80x128xi32, #tpu.memory_space<vmem>> -> memref<1x128xi32, #tpu.memory_space<vmem>>
    %dma_wait3A_35 = tpu.memref_squeeze %dma_wait3A_34 : memref<1x128xi32, #tpu.memory_space<vmem>> -> memref<128xi32, #tpu.memory_space<vmem>>
    %dma_wait3A_36 = arith.constant 0 : i32
    %dma_wait3A_37 = arith.constant 0 : i32
    %dma_wait3A_38 = tpu.memref_slice %arg11[%dma_wait3A_36, %dma_wait3A_37] : memref<10112x64xf32, #tpu.memory_space<vmem_shared>> -> memref<10112x64xf32, #tpu.memory_space<vmem_shared>>
    tpu.wait_indirect_dma semaphore(%arg14 : memref<!tpu.dma_semaphore, #tpu.memory_space<semaphore_mem>>) src(%dma_wait3A_38 : memref<10112x64xf32, #tpu.memory_space<vmem_shared>>) dst(%arg10 : memref<128x64xf32, #tpu.memory_space<vmem>>)
    %run_scoped3A_39 = arith.constant 79 : i32
    "tpu.region"() ({
      %run_scoped3A_45 = tpu.sem_alloc : memref<!tpu.dma_semaphore, #tpu.memory_space<semaphore_mem>>
      %dma_start3A_46 = arith.constant 0 : i32
      %dma_start3A_47 = tpu.memref_slice %arg8[%run_scoped3A_39, %dma_start3A_46] : memref<80x128xi32, #tpu.memory_space<vmem>> -> memref<1x128xi32, #tpu.memory_space<vmem>>
      %dma_start3A_48 = tpu.memref_squeeze %dma_start3A_47 : memref<1x128xi32, #tpu.memory_space<vmem>> -> memref<128xi32, #tpu.memory_space<vmem>>
      %dma_start3A_49 = arith.constant 0 : i32
      %dma_start3A_50 = arith.constant 0 : i32
      %dma_start3A_51 = tpu.memref_slice %arg12[%dma_start3A_49, %dma_start3A_50] : memref<10112x64xf32, #tpu.memory_space<vmem_shared>> -> memref<10112x64xf32, #tpu.memory_space<vmem_shared>>
      tpu.enqueue_indirect_dma source(%arg10 : memref<128x64xf32, #tpu.memory_space<vmem>>) target(%dma_start3A_51 : memref<10112x64xf32, #tpu.memory_space<vmem_shared>>) offsets(%dma_start3A_48 : memref<128xi32, #tpu.memory_space<vmem>>) semaphore(%run_scoped3A_45 : memref<!tpu.dma_semaphore, #tpu.memory_space<semaphore_mem>>) {add = true}
      %dma_wait3A_52 = arith.constant 0 : i32
      %dma_wait3A_53 = tpu.memref_slice %arg8[%run_scoped3A_39, %dma_wait3A_52] : memref<80x128xi32, #tpu.memory_space<vmem>> -> memref<1x128xi32, #tpu.memory_space<vmem>>
      %dma_wait3A_54 = tpu.memref_squeeze %dma_wait3A_53 : memref<1x128xi32, #tpu.memory_space<vmem>> -> memref<128xi32, #tpu.memory_space<vmem>>
      %dma_wait3A_55 = arith.constant 0 : i32
      %dma_wait3A_56 = arith.constant 0 : i32
      %dma_wait3A_57 = tpu.memref_slice %arg12[%dma_wait3A_55, %dma_wait3A_56] : memref<10112x64xf32, #tpu.memory_space<vmem_shared>> -> memref<10112x64xf32, #tpu.memory_space<vmem_shared>>
      tpu.wait_indirect_dma semaphore(%run_scoped3A_45 : memref<!tpu.dma_semaphore, #tpu.memory_space<semaphore_mem>>) src(%arg10 : memref<128x64xf32, #tpu.memory_space<vmem>>) dst(%dma_wait3A_57 : memref<10112x64xf32, #tpu.memory_space<vmem_shared>>)
      tpu.yield
    }) : () -> ()
    %barrier3A_40 = arith.constant 0 : index
    tpu.barrier barrier_id(%barrier3A_40)
    %mul3A_41 = arith.constant 632 : i32
    %mul3A_42 = arith.muli %arg1, %mul3A_41 : i32
    %mul3A_43 = arith.constant 632 : i32
    %mul3A_44 = arith.muli %arg1, %mul3A_43 : i32
    "tpu.region"() ({
      %run_scoped3A_45 = tpu.sem_alloc : memref<!tpu.dma_semaphore, #tpu.memory_space<semaphore_mem>>
      %dma_start3A_46 = arith.constant 0 : i32
      %dma_start3A_47 = tpu.memref_slice %arg6[%arg0, %mul3A_44, %dma_start3A_46] : memref<2x10112x64xf32, #tpu.memory_space<hbm>> -> memref<1x632x64xf32, #tpu.memory_space<hbm>>
      %dma_start3A_48 = tpu.memref_squeeze %dma_start3A_47 : memref<1x632x64xf32, #tpu.memory_space<hbm>> -> memref<632x64xf32, #tpu.memory_space<hbm>>
      %dma_start3A_49 = arith.constant 0 : i32
      %dma_start3A_50 = tpu.memref_slice %arg12[%mul3A_42, %dma_start3A_49] : memref<10112x64xf32, #tpu.memory_space<vmem_shared>> -> memref<632x64xf32, #tpu.memory_space<vmem_shared>>
      tpu.enqueue_dma source(%dma_start3A_50 : memref<632x64xf32, #tpu.memory_space<vmem_shared>>) target(%dma_start3A_48 : memref<632x64xf32, #tpu.memory_space<hbm>>) target_semaphore(%run_scoped3A_45 : memref<!tpu.dma_semaphore, #tpu.memory_space<semaphore_mem>>)
      %dma_wait3A_51 = arith.constant 0 : i32
      %dma_wait3A_52 = tpu.memref_slice %arg6[%arg0, %mul3A_44, %dma_wait3A_51] : memref<2x10112x64xf32, #tpu.memory_space<hbm>> -> memref<1x632x64xf32, #tpu.memory_space<hbm>>
      %dma_wait3A_53 = tpu.memref_squeeze %dma_wait3A_52 : memref<1x632x64xf32, #tpu.memory_space<hbm>> -> memref<632x64xf32, #tpu.memory_space<hbm>>
      %dma_wait3A_54 = arith.constant 0 : i32
      %dma_wait3A_55 = tpu.memref_slice %arg12[%mul3A_42, %dma_wait3A_54] : memref<10112x64xf32, #tpu.memory_space<vmem_shared>> -> memref<632x64xf32, #tpu.memory_space<vmem_shared>>
      tpu.wait_dma2 semaphore(%run_scoped3A_45 : memref<!tpu.dma_semaphore, #tpu.memory_space<semaphore_mem>>) src(%dma_wait3A_55 : memref<632x64xf32, #tpu.memory_space<vmem_shared>>) dst(%dma_wait3A_53 : memref<632x64xf32, #tpu.memory_space<hbm>>)
      tpu.yield
    }) : () -> ()
    return
  }
}

#map = affine_map<(d0, d1) -> (0, 0)>
#map1 = affine_map<(d0, d1) -> (0, 0, 0)>
module attributes {stable_mosaic.version = 14 : i64} {
  func.func @k(%arg0: i32, %arg1: i32, %arg2: memref<10112x64xf32, #tpu.memory_space<hbm>>, %arg3: memref<10112x64xf32, #tpu.memory_space<hbm>>, %arg4: memref<32x80x128xi32, #tpu.memory_space<hbm>>, %arg5: memref<32x80x128xi32, #tpu.memory_space<hbm>>, %arg6: memref<2x10112x64xf32, #tpu.memory_space<hbm>>, %arg7: memref<80x128xi32, #tpu.memory_space<vmem>>, %arg8: memref<80x128xi32, #tpu.memory_space<vmem>>, %arg9: memref<128x64xf32, #tpu.memory_space<vmem>>, %arg10: memref<128x64xf32, #tpu.memory_space<vmem>>, %arg11: memref<10112x64xf32, #tpu.memory_space<vmem_shared>>, %arg12: memref<10112x64xf32, #tpu.memory_space<vmem_shared>>, %arg13: memref<!tpu.dma_semaphore, #tpu.memory_space<semaphore_mem>>, %arg14: memref<!tpu.dma_semaphore, #tpu.memory_space<semaphore_mem>>) attributes {dimension_semantics = [#tpu.dimension_semantics<core_parallel>, #tpu.dimension_semantics<subcore_parallel>], iteration_bounds = array<i64: 2, 16>, scalar_prefetch = 0 : i64, scratch_operands = 8 : i64, tpu.core_type = #tpu.core_type<sc_vector_subcore>, window_params = [{transform_indices = #map}, {transform_indices = #map}, {transform_indices = #map1}, {transform_indices = #map1}, {transform_indices = #map1}]} {
    %mul3A = arith.constant 2 : i32
    %mul3A_0 = arith.muli %arg1, %mul3A : i32
    %add3A = arith.addi %mul3A_0, %arg0 : i32
    %mul3A_1 = arith.constant 632 : i32
    %mul3A_2 = arith.muli %arg1, %mul3A_1 : i32
    %mul3A_3 = arith.constant 632 : i32
    %mul3A_4 = arith.muli %arg1, %mul3A_3 : i32
    "tpu.region"() ({
      %run_scoped3A_45 = tpu.sem_alloc : memref<!tpu.dma_semaphore, #tpu.memory_space<semaphore_mem>>
      %dma_start3A_46 = arith.constant 0 : i32
      %dma_start3A_47 = tpu.memref_slice %arg12[%mul3A_4, %dma_start3A_46] : memref<10112x64xf32, #tpu.memory_space<vmem_shared>> -> memref<632x64xf32, #tpu.memory_space<vmem_shared>>
      %dma_start3A_48 = arith.constant 0 : i32
      %dma_start3A_49 = tpu.memref_slice %arg3[%mul3A_2, %dma_start3A_48] : memref<10112x64xf32, #tpu.memory_space<hbm>> -> memref<632x64xf32, #tpu.memory_space<hbm>>
      tpu.enqueue_dma source(%dma_start3A_49 : memref<632x64xf32, #tpu.memory_space<hbm>>) target(%dma_start3A_47 : memref<632x64xf32, #tpu.memory_space<vmem_shared>>) target_semaphore(%run_scoped3A_45 : memref<!tpu.dma_semaphore, #tpu.memory_space<semaphore_mem>>)
      %dma_wait3A_50 = arith.constant 0 : i32
      %dma_wait3A_51 = tpu.memref_slice %arg12[%mul3A_4, %dma_wait3A_50] : memref<10112x64xf32, #tpu.memory_space<vmem_shared>> -> memref<632x64xf32, #tpu.memory_space<vmem_shared>>
      %dma_wait3A_52 = arith.constant 0 : i32
      %dma_wait3A_53 = tpu.memref_slice %arg3[%mul3A_2, %dma_wait3A_52] : memref<10112x64xf32, #tpu.memory_space<hbm>> -> memref<632x64xf32, #tpu.memory_space<hbm>>
      tpu.wait_dma2 semaphore(%run_scoped3A_45 : memref<!tpu.dma_semaphore, #tpu.memory_space<semaphore_mem>>) src(%dma_wait3A_53 : memref<632x64xf32, #tpu.memory_space<hbm>>) dst(%dma_wait3A_51 : memref<632x64xf32, #tpu.memory_space<vmem_shared>>)
      tpu.yield
    }) : () -> ()
    %mul3A_5 = arith.constant 632 : i32
    %mul3A_6 = arith.muli %arg1, %mul3A_5 : i32
    %mul3A_7 = arith.constant 632 : i32
    %mul3A_8 = arith.muli %arg1, %mul3A_7 : i32
    "tpu.region"() ({
      %run_scoped3A_45 = tpu.sem_alloc : memref<!tpu.dma_semaphore, #tpu.memory_space<semaphore_mem>>
      %dma_start3A_46 = arith.constant 0 : i32
      %dma_start3A_47 = tpu.memref_slice %arg11[%mul3A_8, %dma_start3A_46] : memref<10112x64xf32, #tpu.memory_space<vmem_shared>> -> memref<632x64xf32, #tpu.memory_space<vmem_shared>>
      %dma_start3A_48 = arith.constant 0 : i32
      %dma_start3A_49 = tpu.memref_slice %arg2[%mul3A_6, %dma_start3A_48] : memref<10112x64xf32, #tpu.memory_space<hbm>> -> memref<632x64xf32, #tpu.memory_space<hbm>>
      tpu.enqueue_dma source(%dma_start3A_49 : memref<632x64xf32, #tpu.memory_space<hbm>>) target(%dma_start3A_47 : memref<632x64xf32, #tpu.memory_space<vmem_shared>>) target_semaphore(%run_scoped3A_45 : memref<!tpu.dma_semaphore, #tpu.memory_space<semaphore_mem>>)
      %dma_wait3A_50 = arith.constant 0 : i32
      %dma_wait3A_51 = tpu.memref_slice %arg11[%mul3A_8, %dma_wait3A_50] : memref<10112x64xf32, #tpu.memory_space<vmem_shared>> -> memref<632x64xf32, #tpu.memory_space<vmem_shared>>
      %dma_wait3A_52 = arith.constant 0 : i32
      %dma_wait3A_53 = tpu.memref_slice %arg2[%mul3A_6, %dma_wait3A_52] : memref<10112x64xf32, #tpu.memory_space<hbm>> -> memref<632x64xf32, #tpu.memory_space<hbm>>
      tpu.wait_dma2 semaphore(%run_scoped3A_45 : memref<!tpu.dma_semaphore, #tpu.memory_space<semaphore_mem>>) src(%dma_wait3A_53 : memref<632x64xf32, #tpu.memory_space<hbm>>) dst(%dma_wait3A_51 : memref<632x64xf32, #tpu.memory_space<vmem_shared>>)
      tpu.yield
    }) : () -> ()
    "tpu.region"() ({
      %run_scoped3A_45 = tpu.sem_alloc : memref<!tpu.dma_semaphore, #tpu.memory_space<semaphore_mem>>
      %dma_start3A_46 = arith.constant 0 : i32
      %dma_start3A_47 = arith.constant 0 : i32
      %dma_start3A_48 = tpu.memref_slice %arg4[%add3A, %dma_start3A_46, %dma_start3A_47] : memref<32x80x128xi32, #tpu.memory_space<hbm>> -> memref<1x80x128xi32, #tpu.memory_space<hbm>>
      %dma_start3A_49 = tpu.memref_squeeze %dma_start3A_48 : memref<1x80x128xi32, #tpu.memory_space<hbm>> -> memref<80x128xi32, #tpu.memory_space<hbm>>
      %dma_start3A_50 = arith.constant 0 : i32
      %dma_start3A_51 = arith.constant 0 : i32
      %dma_start3A_52 = tpu.memref_slice %arg4[%add3A, %dma_start3A_50, %dma_start3A_51] : memref<32x80x128xi32, #tpu.memory_space<hbm>> -> memref<1x80x128xi32, #tpu.memory_space<hbm>>
      %dma_start3A_53 = tpu.memref_squeeze %dma_start3A_52 : memref<1x80x128xi32, #tpu.memory_space<hbm>> -> memref<80x128xi32, #tpu.memory_space<hbm>>
      tpu.enqueue_dma source(%dma_start3A_53 : memref<80x128xi32, #tpu.memory_space<hbm>>) target(%arg7 : memref<80x128xi32, #tpu.memory_space<vmem>>) target_semaphore(%run_scoped3A_45 : memref<!tpu.dma_semaphore, #tpu.memory_space<semaphore_mem>>)
      %dma_wait3A_54 = arith.constant 0 : i32
      %dma_wait3A_55 = arith.constant 0 : i32
      %dma_wait3A_56 = tpu.memref_slice %arg4[%add3A, %dma_wait3A_54, %dma_wait3A_55] : memref<32x80x128xi32, #tpu.memory_space<hbm>> -> memref<1x80x128xi32, #tpu.memory_space<hbm>>
      %dma_wait3A_57 = tpu.memref_squeeze %dma_wait3A_56 : memref<1x80x128xi32, #tpu.memory_space<hbm>> -> memref<80x128xi32, #tpu.memory_space<hbm>>
      %dma_wait3A_58 = arith.constant 0 : i32
      %dma_wait3A_59 = arith.constant 0 : i32
      %dma_wait3A_60 = tpu.memref_slice %arg4[%add3A, %dma_wait3A_58, %dma_wait3A_59] : memref<32x80x128xi32, #tpu.memory_space<hbm>> -> memref<1x80x128xi32, #tpu.memory_space<hbm>>
      %dma_wait3A_61 = tpu.memref_squeeze %dma_wait3A_60 : memref<1x80x128xi32, #tpu.memory_space<hbm>> -> memref<80x128xi32, #tpu.memory_space<hbm>>
      tpu.wait_dma2 semaphore(%run_scoped3A_45 : memref<!tpu.dma_semaphore, #tpu.memory_space<semaphore_mem>>) src(%dma_wait3A_61 : memref<80x128xi32, #tpu.memory_space<hbm>>) dst(%arg7 : memref<80x128xi32, #tpu.memory_space<vmem>>)
      tpu.yield
    }) : () -> ()
    "tpu.region"() ({
      %run_scoped3A_45 = tpu.sem_alloc : memref<!tpu.dma_semaphore, #tpu.memory_space<semaphore_mem>>
      %dma_start3A_46 = arith.constant 0 : i32
      %dma_start3A_47 = arith.constant 0 : i32
      %dma_start3A_48 = tpu.memref_slice %arg5[%add3A, %dma_start3A_46, %dma_start3A_47] : memref<32x80x128xi32, #tpu.memory_space<hbm>> -> memref<1x80x128xi32, #tpu.memory_space<hbm>>
      %dma_start3A_49 = tpu.memref_squeeze %dma_start3A_48 : memref<1x80x128xi32, #tpu.memory_space<hbm>> -> memref<80x128xi32, #tpu.memory_space<hbm>>
      %dma_start3A_50 = arith.constant 0 : i32
      %dma_start3A_51 = arith.constant 0 : i32
      %dma_start3A_52 = tpu.memref_slice %arg5[%add3A, %dma_start3A_50, %dma_start3A_51] : memref<32x80x128xi32, #tpu.memory_space<hbm>> -> memref<1x80x128xi32, #tpu.memory_space<hbm>>
      %dma_start3A_53 = tpu.memref_squeeze %dma_start3A_52 : memref<1x80x128xi32, #tpu.memory_space<hbm>> -> memref<80x128xi32, #tpu.memory_space<hbm>>
      tpu.enqueue_dma source(%dma_start3A_53 : memref<80x128xi32, #tpu.memory_space<hbm>>) target(%arg8 : memref<80x128xi32, #tpu.memory_space<vmem>>) target_semaphore(%run_scoped3A_45 : memref<!tpu.dma_semaphore, #tpu.memory_space<semaphore_mem>>)
      %dma_wait3A_54 = arith.constant 0 : i32
      %dma_wait3A_55 = arith.constant 0 : i32
      %dma_wait3A_56 = tpu.memref_slice %arg5[%add3A, %dma_wait3A_54, %dma_wait3A_55] : memref<32x80x128xi32, #tpu.memory_space<hbm>> -> memref<1x80x128xi32, #tpu.memory_space<hbm>>
      %dma_wait3A_57 = tpu.memref_squeeze %dma_wait3A_56 : memref<1x80x128xi32, #tpu.memory_space<hbm>> -> memref<80x128xi32, #tpu.memory_space<hbm>>
      %dma_wait3A_58 = arith.constant 0 : i32
      %dma_wait3A_59 = arith.constant 0 : i32
      %dma_wait3A_60 = tpu.memref_slice %arg5[%add3A, %dma_wait3A_58, %dma_wait3A_59] : memref<32x80x128xi32, #tpu.memory_space<hbm>> -> memref<1x80x128xi32, #tpu.memory_space<hbm>>
      %dma_wait3A_61 = tpu.memref_squeeze %dma_wait3A_60 : memref<1x80x128xi32, #tpu.memory_space<hbm>> -> memref<80x128xi32, #tpu.memory_space<hbm>>
      tpu.wait_dma2 semaphore(%run_scoped3A_45 : memref<!tpu.dma_semaphore, #tpu.memory_space<semaphore_mem>>) src(%dma_wait3A_61 : memref<80x128xi32, #tpu.memory_space<hbm>>) dst(%arg8 : memref<80x128xi32, #tpu.memory_space<vmem>>)
      tpu.yield
    }) : () -> ()
    %barrier3A = arith.constant 0 : index
    tpu.barrier barrier_id(%barrier3A)
    %dma_start3A = arith.constant 0 : i32
    %dma_start3A_9 = arith.constant 0 : i32
    %dma_start3A_10 = tpu.memref_slice %arg7[%dma_start3A, %dma_start3A_9] : memref<80x128xi32, #tpu.memory_space<vmem>> -> memref<1x128xi32, #tpu.memory_space<vmem>>
    %dma_start3A_11 = tpu.memref_squeeze %dma_start3A_10 : memref<1x128xi32, #tpu.memory_space<vmem>> -> memref<128xi32, #tpu.memory_space<vmem>>
    %dma_start3A_12 = arith.constant 0 : i32
    %dma_start3A_13 = arith.constant 0 : i32
    %dma_start3A_14 = tpu.memref_slice %arg11[%dma_start3A_12, %dma_start3A_13] : memref<10112x64xf32, #tpu.memory_space<vmem_shared>> -> memref<10112x64xf32, #tpu.memory_space<vmem_shared>>
    tpu.enqueue_indirect_dma source(%dma_start3A_14 : memref<10112x64xf32, #tpu.memory_space<vmem_shared>>) target(%arg9 : memref<128x64xf32, #tpu.memory_space<vmem>>) offsets(%dma_start3A_11 : memref<128xi32, #tpu.memory_space<vmem>>) semaphore(%arg13 : memref<!tpu.dma_semaphore, #tpu.memory_space<semaphore_mem>>)
    %scan3A = arith.constant 0 : i32
    %scan3A_15 = arith.constant 39 : i32
    %scan3A_16 = arith.addi %scan3A, %scan3A_15 : i32
    %scan3A_17 = arith.constant 1 : i32
    scf.for %scan3A_45 = %scan3A to %scan3A_16 step %scan3A_17  : i32 {
      %mul3A_46 = arith.constant 2 : i32
      %mul3A_47 = arith.muli %scan3A_45, %mul3A_46 : i32
      %add3A_48 = arith.constant 0 : i32
      %add3A_49 = arith.addi %add3A_48, %mul3A_47 : i32
      %add3A_50 = arith.constant 1 : i32
      %add3A_51 = arith.addi %add3A_49, %add3A_50 : i32
      %dma_start3A_52 = arith.constant 0 : i32
      %dma_start3A_53 = tpu.memref_slice %arg7[%add3A_51, %dma_start3A_52] : memref<80x128xi32, #tpu.memory_space<vmem>> -> memref<1x128xi32, #tpu.memory_space<vmem>>
      %dma_start3A_54 = tpu.memref_squeeze %dma_start3A_53 : memref<1x128xi32, #tpu.memory_space<vmem>> -> memref<128xi32, #tpu.memory_space<vmem>>
      %dma_start3A_55 = arith.constant 0 : i32
      %dma_start3A_56 = arith.constant 0 : i32
      %dma_start3A_57 = tpu.memref_slice %arg11[%dma_start3A_55, %dma_start3A_56] : memref<10112x64xf32, #tpu.memory_space<vmem_shared>> -> memref<10112x64xf32, #tpu.memory_space<vmem_shared>>
      tpu.enqueue_indirect_dma source(%dma_start3A_57 : memref<10112x64xf32, #tpu.memory_space<vmem_shared>>) target(%arg10 : memref<128x64xf32, #tpu.memory_space<vmem>>) offsets(%dma_start3A_54 : memref<128xi32, #tpu.memory_space<vmem>>) semaphore(%arg14 : memref<!tpu.dma_semaphore, #tpu.memory_space<semaphore_mem>>)
      %dma_wait3A_58 = arith.constant 0 : i32
      %dma_wait3A_59 = tpu.memref_slice %arg7[%add3A_49, %dma_wait3A_58] : memref<80x128xi32, #tpu.memory_space<vmem>> -> memref<1x128xi32, #tpu.memory_space<vmem>>
      %dma_wait3A_60 = tpu.memref_squeeze %dma_wait3A_59 : memref<1x128xi32, #tpu.memory_space<vmem>> -> memref<128xi32, #tpu.memory_space<vmem>>
      %dma_wait3A_61 = arith.constant 0 : i32
      %dma_wait3A_62 = arith.constant 0 : i32
      %dma_wait3A_63 = tpu.memref_slice %arg11[%dma_wait3A_61, %dma_wait3A_62] : memref<10112x64xf32, #tpu.memory_space<vmem_shared>> -> memref<10112x64xf32, #tpu.memory_space<vmem_shared>>
      tpu.wait_indirect_dma semaphore(%arg13 : memref<!tpu.dma_semaphore, #tpu.memory_space<semaphore_mem>>) src(%dma_wait3A_63 : memref<10112x64xf32, #tpu.memory_space<vmem_shared>>) dst(%arg9 : memref<128x64xf32, #tpu.memory_space<vmem>>)
      "tpu.region"() ({
        %run_scoped3A_82 = tpu.sem_alloc : memref<!tpu.dma_semaphore, #tpu.memory_space<semaphore_mem>>
        %dma_start3A_83 = arith.constant 0 : i32
        %dma_start3A_84 = tpu.memref_slice %arg8[%add3A_49, %dma_start3A_83] : memref<80x128xi32, #tpu.memory_space<vmem>> -> memref<1x128xi32, #tpu.memory_space<vmem>>
        %dma_start3A_85 = tpu.memref_squeeze %dma_start3A_84 : memref<1x128xi32, #tpu.memory_space<vmem>> -> memref<128xi32, #tpu.memory_space<vmem>>
        %dma_start3A_86 = arith.constant 0 : i32
        %dma_start3A_87 = arith.constant 0 : i32
        %dma_start3A_88 = tpu.memref_slice %arg12[%dma_start3A_86, %dma_start3A_87] : memref<10112x64xf32, #tpu.memory_space<vmem_shared>> -> memref<10112x64xf32, #tpu.memory_space<vmem_shared>>
        tpu.enqueue_indirect_dma source(%arg9 : memref<128x64xf32, #tpu.memory_space<vmem>>) target(%dma_start3A_88 : memref<10112x64xf32, #tpu.memory_space<vmem_shared>>) offsets(%dma_start3A_85 : memref<128xi32, #tpu.memory_space<vmem>>) semaphore(%run_scoped3A_82 : memref<!tpu.dma_semaphore, #tpu.memory_space<semaphore_mem>>) {add = true}
        %dma_wait3A_89 = arith.constant 0 : i32
        %dma_wait3A_90 = tpu.memref_slice %arg8[%add3A_49, %dma_wait3A_89] : memref<80x128xi32, #tpu.memory_space<vmem>> -> memref<1x128xi32, #tpu.memory_space<vmem>>
        %dma_wait3A_91 = tpu.memref_squeeze %dma_wait3A_90 : memref<1x128xi32, #tpu.memory_space<vmem>> -> memref<128xi32, #tpu.memory_space<vmem>>
        %dma_wait3A_92 = arith.constant 0 : i32
        %dma_wait3A_93 = arith.constant 0 : i32
        %dma_wait3A_94 = tpu.memref_slice %arg12[%dma_wait3A_92, %dma_wait3A_93] : memref<10112x64xf32, #tpu.memory_space<vmem_shared>> -> memref<10112x64xf32, #tpu.memory_space<vmem_shared>>
        tpu.wait_indirect_dma semaphore(%run_scoped3A_82 : memref<!tpu.dma_semaphore, #tpu.memory_space<semaphore_mem>>) src(%arg9 : memref<128x64xf32, #tpu.memory_space<vmem>>) dst(%dma_wait3A_94 : memref<10112x64xf32, #tpu.memory_space<vmem_shared>>)
        tpu.yield
      }) : () -> ()
      %add3A_64 = arith.constant 2 : i32
      %add3A_65 = arith.addi %add3A_49, %add3A_64 : i32
      %dma_start3A_66 = arith.constant 0 : i32
      %dma_start3A_67 = tpu.memref_slice %arg7[%add3A_65, %dma_start3A_66] : memref<80x128xi32, #tpu.memory_space<vmem>> -> memref<1x128xi32, #tpu.memory_space<vmem>>
      %dma_start3A_68 = tpu.memref_squeeze %dma_start3A_67 : memref<1x128xi32, #tpu.memory_space<vmem>> -> memref<128xi32, #tpu.memory_space<vmem>>
      %dma_start3A_69 = arith.constant 0 : i32
      %dma_start3A_70 = arith.constant 0 : i32
      %dma_start3A_71 = tpu.memref_slice %arg11[%dma_start3A_69, %dma_start3A_70] : memref<10112x64xf32, #tpu.memory_space<vmem_shared>> -> memref<10112x64xf32, #tpu.memory_space<vmem_shared>>
      tpu.enqueue_indirect_dma source(%dma_start3A_71 : memref<10112x64xf32, #tpu.memory_space<vmem_shared>>) target(%arg9 : memref<128x64xf32, #tpu.memory_space<vmem>>) offsets(%dma_start3A_68 : memref<128xi32, #tpu.memory_space<vmem>>) semaphore(%arg13 : memref<!tpu.dma_semaphore, #tpu.memory_space<semaphore_mem>>)
      %add3A_72 = arith.constant 1 : i32
      %add3A_73 = arith.addi %add3A_49, %add3A_72 : i32
      %dma_wait3A_74 = arith.constant 0 : i32
      %dma_wait3A_75 = tpu.memref_slice %arg7[%add3A_73, %dma_wait3A_74] : memref<80x128xi32, #tpu.memory_space<vmem>> -> memref<1x128xi32, #tpu.memory_space<vmem>>
      %dma_wait3A_76 = tpu.memref_squeeze %dma_wait3A_75 : memref<1x128xi32, #tpu.memory_space<vmem>> -> memref<128xi32, #tpu.memory_space<vmem>>
      %dma_wait3A_77 = arith.constant 0 : i32
      %dma_wait3A_78 = arith.constant 0 : i32
      %dma_wait3A_79 = tpu.memref_slice %arg11[%dma_wait3A_77, %dma_wait3A_78] : memref<10112x64xf32, #tpu.memory_space<vmem_shared>> -> memref<10112x64xf32, #tpu.memory_space<vmem_shared>>
      tpu.wait_indirect_dma semaphore(%arg14 : memref<!tpu.dma_semaphore, #tpu.memory_space<semaphore_mem>>) src(%dma_wait3A_79 : memref<10112x64xf32, #tpu.memory_space<vmem_shared>>) dst(%arg10 : memref<128x64xf32, #tpu.memory_space<vmem>>)
      %add3A_80 = arith.constant 1 : i32
      %add3A_81 = arith.addi %add3A_49, %add3A_80 : i32
      "tpu.region"() ({
        %run_scoped3A_82 = tpu.sem_alloc : memref<!tpu.dma_semaphore, #tpu.memory_space<semaphore_mem>>
        %dma_start3A_83 = arith.constant 0 : i32
        %dma_start3A_84 = tpu.memref_slice %arg8[%add3A_81, %dma_start3A_83] : memref<80x128xi32, #tpu.memory_space<vmem>> -> memref<1x128xi32, #tpu.memory_space<vmem>>
        %dma_start3A_85 = tpu.memref_squeeze %dma_start3A_84 : memref<1x128xi32, #tpu.memory_space<vmem>> -> memref<128xi32, #tpu.memory_space<vmem>>
        %dma_start3A_86 = arith.constant 0 : i32
        %dma_start3A_87 = arith.constant 0 : i32
        %dma_start3A_88 = tpu.memref_slice %arg12[%dma_start3A_86, %dma_start3A_87] : memref<10112x64xf32, #tpu.memory_space<vmem_shared>> -> memref<10112x64xf32, #tpu.memory_space<vmem_shared>>
        tpu.enqueue_indirect_dma source(%arg10 : memref<128x64xf32, #tpu.memory_space<vmem>>) target(%dma_start3A_88 : memref<10112x64xf32, #tpu.memory_space<vmem_shared>>) offsets(%dma_start3A_85 : memref<128xi32, #tpu.memory_space<vmem>>) semaphore(%run_scoped3A_82 : memref<!tpu.dma_semaphore, #tpu.memory_space<semaphore_mem>>) {add = true}
        %dma_wait3A_89 = arith.constant 0 : i32
        %dma_wait3A_90 = tpu.memref_slice %arg8[%add3A_81, %dma_wait3A_89] : memref<80x128xi32, #tpu.memory_space<vmem>> -> memref<1x128xi32, #tpu.memory_space<vmem>>
        %dma_wait3A_91 = tpu.memref_squeeze %dma_wait3A_90 : memref<1x128xi32, #tpu.memory_space<vmem>> -> memref<128xi32, #tpu.memory_space<vmem>>
        %dma_wait3A_92 = arith.constant 0 : i32
        %dma_wait3A_93 = arith.constant 0 : i32
        %dma_wait3A_94 = tpu.memref_slice %arg12[%dma_wait3A_92, %dma_wait3A_93] : memref<10112x64xf32, #tpu.memory_space<vmem_shared>> -> memref<10112x64xf32, #tpu.memory_space<vmem_shared>>
        tpu.wait_indirect_dma semaphore(%run_scoped3A_82 : memref<!tpu.dma_semaphore, #tpu.memory_space<semaphore_mem>>) src(%arg10 : memref<128x64xf32, #tpu.memory_space<vmem>>) dst(%dma_wait3A_94 : memref<10112x64xf32, #tpu.memory_space<vmem_shared>>)
        tpu.yield
      }) : () -> ()
    }
    %scan3A_18 = arith.constant 39 : i32
    %dma_start3A_19 = arith.constant 79 : i32
    %dma_start3A_20 = arith.constant 0 : i32
    %dma_start3A_21 = tpu.memref_slice %arg7[%dma_start3A_19, %dma_start3A_20] : memref<80x128xi32, #tpu.memory_space<vmem>> -> memref<1x128xi32, #tpu.memory_space<vmem>>
    %dma_start3A_22 = tpu.memref_squeeze %dma_start3A_21 : memref<1x128xi32, #tpu.memory_space<vmem>> -> memref<128xi32, #tpu.memory_space<vmem>>
    %dma_start3A_23 = arith.constant 0 : i32
    %dma_start3A_24 = arith.constant 0 : i32
    %dma_start3A_25 = tpu.memref_slice %arg11[%dma_start3A_23, %dma_start3A_24] : memref<10112x64xf32, #tpu.memory_space<vmem_shared>> -> memref<10112x64xf32, #tpu.memory_space<vmem_shared>>
    tpu.enqueue_indirect_dma source(%dma_start3A_25 : memref<10112x64xf32, #tpu.memory_space<vmem_shared>>) target(%arg10 : memref<128x64xf32, #tpu.memory_space<vmem>>) offsets(%dma_start3A_22 : memref<128xi32, #tpu.memory_space<vmem>>) semaphore(%arg14 : memref<!tpu.dma_semaphore, #tpu.memory_space<semaphore_mem>>)
    %dma_wait3A = arith.constant 78 : i32
    %dma_wait3A_26 = arith.constant 0 : i32
    %dma_wait3A_27 = tpu.memref_slice %arg7[%dma_wait3A, %dma_wait3A_26] : memref<80x128xi32, #tpu.memory_space<vmem>> -> memref<1x128xi32, #tpu.memory_space<vmem>>
    %dma_wait3A_28 = tpu.memref_squeeze %dma_wait3A_27 : memref<1x128xi32, #tpu.memory_space<vmem>> -> memref<128xi32, #tpu.memory_space<vmem>>
    %dma_wait3A_29 = arith.constant 0 : i32
    %dma_wait3A_30 = arith.constant 0 : i32
    %dma_wait3A_31 = tpu.memref_slice %arg11[%dma_wait3A_29, %dma_wait3A_30] : memref<10112x64xf32, #tpu.memory_space<vmem_shared>> -> memref<10112x64xf32, #tpu.memory_space<vmem_shared>>
    tpu.wait_indirect_dma semaphore(%arg13 : memref<!tpu.dma_semaphore, #tpu.memory_space<semaphore_mem>>) src(%dma_wait3A_31 : memref<10112x64xf32, #tpu.memory_space<vmem_shared>>) dst(%arg9 : memref<128x64xf32, #tpu.memory_space<vmem>>)
    %run_scoped3A = arith.constant 78 : i32
    "tpu.region"() ({
      %run_scoped3A_45 = tpu.sem_alloc : memref<!tpu.dma_semaphore, #tpu.memory_space<semaphore_mem>>
      %dma_start3A_46 = arith.constant 0 : i32
      %dma_start3A_47 = tpu.memref_slice %arg8[%run_scoped3A, %dma_start3A_46] : memref<80x128xi32, #tpu.memory_space<vmem>> -> memref<1x128xi32, #tpu.memory_space<vmem>>
      %dma_start3A_48 = tpu.memref_squeeze %dma_start3A_47 : memref<1x128xi32, #tpu.memory_space<vmem>> -> memref<128xi32, #tpu.memory_space<vmem>>
      %dma_start3A_49 = arith.constant 0 : i32
      %dma_start3A_50 = arith.constant 0 : i32
      %dma_start3A_51 = tpu.memref_slice %arg12[%dma_start3A_49, %dma_start3A_50] : memref<10112x64xf32, #tpu.memory_space<vmem_shared>> -> memref<10112x64xf32, #tpu.memory_space<vmem_shared>>
      tpu.enqueue_indirect_dma source(%arg9 : memref<128x64xf32, #tpu.memory_space<vmem>>) target(%dma_start3A_51 : memref<10112x64xf32, #tpu.memory_space<vmem_shared>>) offsets(%dma_start3A_48 : memref<128xi32, #tpu.memory_space<vmem>>) semaphore(%run_scoped3A_45 : memref<!tpu.dma_semaphore, #tpu.memory_space<semaphore_mem>>) {add = true}
      %dma_wait3A_52 = arith.constant 0 : i32
      %dma_wait3A_53 = tpu.memref_slice %arg8[%run_scoped3A, %dma_wait3A_52] : memref<80x128xi32, #tpu.memory_space<vmem>> -> memref<1x128xi32, #tpu.memory_space<vmem>>
      %dma_wait3A_54 = tpu.memref_squeeze %dma_wait3A_53 : memref<1x128xi32, #tpu.memory_space<vmem>> -> memref<128xi32, #tpu.memory_space<vmem>>
      %dma_wait3A_55 = arith.constant 0 : i32
      %dma_wait3A_56 = arith.constant 0 : i32
      %dma_wait3A_57 = tpu.memref_slice %arg12[%dma_wait3A_55, %dma_wait3A_56] : memref<10112x64xf32, #tpu.memory_space<vmem_shared>> -> memref<10112x64xf32, #tpu.memory_space<vmem_shared>>
      tpu.wait_indirect_dma semaphore(%run_scoped3A_45 : memref<!tpu.dma_semaphore, #tpu.memory_space<semaphore_mem>>) src(%arg9 : memref<128x64xf32, #tpu.memory_space<vmem>>) dst(%dma_wait3A_57 : memref<10112x64xf32, #tpu.memory_space<vmem_shared>>)
      tpu.yield
    }) : () -> ()
    %dma_wait3A_32 = arith.constant 79 : i32
    %dma_wait3A_33 = arith.constant 0 : i32
    %dma_wait3A_34 = tpu.memref_slice %arg7[%dma_wait3A_32, %dma_wait3A_33] : memref<80x128xi32, #tpu.memory_space<vmem>> -> memref<1x128xi32, #tpu.memory_space<vmem>>
    %dma_wait3A_35 = tpu.memref_squeeze %dma_wait3A_34 : memref<1x128xi32, #tpu.memory_space<vmem>> -> memref<128xi32, #tpu.memory_space<vmem>>
    %dma_wait3A_36 = arith.constant 0 : i32
    %dma_wait3A_37 = arith.constant 0 : i32
    %dma_wait3A_38 = tpu.memref_slice %arg11[%dma_wait3A_36, %dma_wait3A_37] : memref<10112x64xf32, #tpu.memory_space<vmem_shared>> -> memref<10112x64xf32, #tpu.memory_space<vmem_shared>>
    tpu.wait_indirect_dma semaphore(%arg14 : memref<!tpu.dma_semaphore, #tpu.memory_space<semaphore_mem>>) src(%dma_wait3A_38 : memref<10112x64xf32, #tpu.memory_space<vmem_shared>>) dst(%arg10 : memref<128x64xf32, #tpu.memory_space<vmem>>)
    %run_scoped3A_39 = arith.constant 79 : i32
    "tpu.region"() ({
      %run_scoped3A_45 = tpu.sem_alloc : memref<!tpu.dma_semaphore, #tpu.memory_space<semaphore_mem>>
      %dma_start3A_46 = arith.constant 0 : i32
      %dma_start3A_47 = tpu.memref_slice %arg8[%run_scoped3A_39, %dma_start3A_46] : memref<80x128xi32, #tpu.memory_space<vmem>> -> memref<1x128xi32, #tpu.memory_space<vmem>>
      %dma_start3A_48 = tpu.memref_squeeze %dma_start3A_47 : memref<1x128xi32, #tpu.memory_space<vmem>> -> memref<128xi32, #tpu.memory_space<vmem>>
      %dma_start3A_49 = arith.constant 0 : i32
      %dma_start3A_50 = arith.constant 0 : i32
      %dma_start3A_51 = tpu.memref_slice %arg12[%dma_start3A_49, %dma_start3A_50] : memref<10112x64xf32, #tpu.memory_space<vmem_shared>> -> memref<10112x64xf32, #tpu.memory_space<vmem_shared>>
      tpu.enqueue_indirect_dma source(%arg10 : memref<128x64xf32, #tpu.memory_space<vmem>>) target(%dma_start3A_51 : memref<10112x64xf32, #tpu.memory_space<vmem_shared>>) offsets(%dma_start3A_48 : memref<128xi32, #tpu.memory_space<vmem>>) semaphore(%run_scoped3A_45 : memref<!tpu.dma_semaphore, #tpu.memory_space<semaphore_mem>>) {add = true}
      %dma_wait3A_52 = arith.constant 0 : i32
      %dma_wait3A_53 = tpu.memref_slice %arg8[%run_scoped3A_39, %dma_wait3A_52] : memref<80x128xi32, #tpu.memory_space<vmem>> -> memref<1x128xi32, #tpu.memory_space<vmem>>
      %dma_wait3A_54 = tpu.memref_squeeze %dma_wait3A_53 : memref<1x128xi32, #tpu.memory_space<vmem>> -> memref<128xi32, #tpu.memory_space<vmem>>
      %dma_wait3A_55 = arith.constant 0 : i32
      %dma_wait3A_56 = arith.constant 0 : i32
      %dma_wait3A_57 = tpu.memref_slice %arg12[%dma_wait3A_55, %dma_wait3A_56] : memref<10112x64xf32, #tpu.memory_space<vmem_shared>> -> memref<10112x64xf32, #tpu.memory_space<vmem_shared>>
      tpu.wait_indirect_dma semaphore(%run_scoped3A_45 : memref<!tpu.dma_semaphore, #tpu.memory_space<semaphore_mem>>) src(%arg10 : memref<128x64xf32, #tpu.memory_space<vmem>>) dst(%dma_wait3A_57 : memref<10112x64xf32, #tpu.memory_space<vmem_shared>>)
      tpu.yield
    }) : () -> ()
    %barrier3A_40 = arith.constant 0 : index
    tpu.barrier barrier_id(%barrier3A_40)
    %mul3A_41 = arith.constant 632 : i32
    %mul3A_42 = arith.muli %arg1, %mul3A_41 : i32
    %mul3A_43 = arith.constant 632 : i32
    %mul3A_44 = arith.muli %arg1, %mul3A_43 : i32
    "tpu.region"() ({
      %run_scoped3A_45 = tpu.sem_alloc : memref<!tpu.dma_semaphore, #tpu.memory_space<semaphore_mem>>
      %dma_start3A_46 = arith.constant 0 : i32
      %dma_start3A_47 = tpu.memref_slice %arg6[%arg0, %mul3A_44, %dma_start3A_46] : memref<2x10112x64xf32, #tpu.memory_space<hbm>> -> memref<1x632x64xf32, #tpu.memory_space<hbm>>
      %dma_start3A_48 = tpu.memref_squeeze %dma_start3A_47 : memref<1x632x64xf32, #tpu.memory_space<hbm>> -> memref<632x64xf32, #tpu.memory_space<hbm>>
      %dma_start3A_49 = arith.constant 0 : i32
      %dma_start3A_50 = tpu.memref_slice %arg12[%mul3A_42, %dma_start3A_49] : memref<10112x64xf32, #tpu.memory_space<vmem_shared>> -> memref<632x64xf32, #tpu.memory_space<vmem_shared>>
      tpu.enqueue_dma source(%dma_start3A_50 : memref<632x64xf32, #tpu.memory_space<vmem_shared>>) target(%dma_start3A_48 : memref<632x64xf32, #tpu.memory_space<hbm>>) target_semaphore(%run_scoped3A_45 : memref<!tpu.dma_semaphore, #tpu.memory_space<semaphore_mem>>)
      %dma_wait3A_51 = arith.constant 0 : i32
      %dma_wait3A_52 = tpu.memref_slice %arg6[%arg0, %mul3A_44, %dma_wait3A_51] : memref<2x10112x64xf32, #tpu.memory_space<hbm>> -> memref<1x632x64xf32, #tpu.memory_space<hbm>>
      %dma_wait3A_53 = tpu.memref_squeeze %dma_wait3A_52 : memref<1x632x64xf32, #tpu.memory_space<hbm>> -> memref<632x64xf32, #tpu.memory_space<hbm>>
      %dma_wait3A_54 = arith.constant 0 : i32
      %dma_wait3A_55 = tpu.memref_slice %arg12[%mul3A_42, %dma_wait3A_54] : memref<10112x64xf32, #tpu.memory_space<vmem_shared>> -> memref<632x64xf32, #tpu.memory_space<vmem_shared>>
      tpu.wait_dma2 semaphore(%run_scoped3A_45 : memref<!tpu.dma_semaphore, #tpu.memory_space<semaphore_mem>>) src(%dma_wait3A_55 : memref<632x64xf32, #tpu.memory_space<vmem_shared>>) dst(%dma_wait3A_53 : memref<632x64xf32, #tpu.memory_space<hbm>>)
      tpu.yield
    }) : () -> ()
    return
  }
}

#map = affine_map<(d0, d1) -> (0, 0)>
#map1 = affine_map<(d0, d1) -> (0, 0, 0)>
module attributes {stable_mosaic.version = 14 : i64} {
  func.func @k(%arg0: i32, %arg1: i32, %arg2: memref<10112x64xf32, #tpu.memory_space<hbm>>, %arg3: memref<10112x64xf32, #tpu.memory_space<hbm>>, %arg4: memref<32x80x128xi32, #tpu.memory_space<hbm>>, %arg5: memref<32x80x128xi32, #tpu.memory_space<hbm>>, %arg6: memref<2x10112x64xf32, #tpu.memory_space<hbm>>, %arg7: memref<80x128xi32, #tpu.memory_space<vmem>>, %arg8: memref<80x128xi32, #tpu.memory_space<vmem>>, %arg9: memref<128x64xf32, #tpu.memory_space<vmem>>, %arg10: memref<128x64xf32, #tpu.memory_space<vmem>>, %arg11: memref<10112x64xf32, #tpu.memory_space<vmem_shared>>, %arg12: memref<10112x64xf32, #tpu.memory_space<vmem_shared>>, %arg13: memref<!tpu.dma_semaphore, #tpu.memory_space<semaphore_mem>>, %arg14: memref<!tpu.dma_semaphore, #tpu.memory_space<semaphore_mem>>) attributes {dimension_semantics = [#tpu.dimension_semantics<core_parallel>, #tpu.dimension_semantics<subcore_parallel>], iteration_bounds = array<i64: 2, 16>, scalar_prefetch = 0 : i64, scratch_operands = 8 : i64, tpu.core_type = #tpu.core_type<sc_vector_subcore>, window_params = [{transform_indices = #map}, {transform_indices = #map}, {transform_indices = #map1}, {transform_indices = #map1}, {transform_indices = #map1}]} {
    %mul3A = arith.constant 2 : i32
    %mul3A_0 = arith.muli %arg1, %mul3A : i32
    %add3A = arith.addi %mul3A_0, %arg0 : i32
    %mul3A_1 = arith.constant 632 : i32
    %mul3A_2 = arith.muli %arg1, %mul3A_1 : i32
    %mul3A_3 = arith.constant 632 : i32
    %mul3A_4 = arith.muli %arg1, %mul3A_3 : i32
    "tpu.region"() ({
      %run_scoped3A_45 = tpu.sem_alloc : memref<!tpu.dma_semaphore, #tpu.memory_space<semaphore_mem>>
      %dma_start3A_46 = arith.constant 0 : i32
      %dma_start3A_47 = tpu.memref_slice %arg12[%mul3A_4, %dma_start3A_46] : memref<10112x64xf32, #tpu.memory_space<vmem_shared>> -> memref<632x64xf32, #tpu.memory_space<vmem_shared>>
      %dma_start3A_48 = arith.constant 0 : i32
      %dma_start3A_49 = tpu.memref_slice %arg3[%mul3A_2, %dma_start3A_48] : memref<10112x64xf32, #tpu.memory_space<hbm>> -> memref<632x64xf32, #tpu.memory_space<hbm>>
      tpu.enqueue_dma source(%dma_start3A_49 : memref<632x64xf32, #tpu.memory_space<hbm>>) target(%dma_start3A_47 : memref<632x64xf32, #tpu.memory_space<vmem_shared>>) target_semaphore(%run_scoped3A_45 : memref<!tpu.dma_semaphore, #tpu.memory_space<semaphore_mem>>)
      %dma_wait3A_50 = arith.constant 0 : i32
      %dma_wait3A_51 = tpu.memref_slice %arg12[%mul3A_4, %dma_wait3A_50] : memref<10112x64xf32, #tpu.memory_space<vmem_shared>> -> memref<632x64xf32, #tpu.memory_space<vmem_shared>>
      %dma_wait3A_52 = arith.constant 0 : i32
      %dma_wait3A_53 = tpu.memref_slice %arg3[%mul3A_2, %dma_wait3A_52] : memref<10112x64xf32, #tpu.memory_space<hbm>> -> memref<632x64xf32, #tpu.memory_space<hbm>>
      tpu.wait_dma2 semaphore(%run_scoped3A_45 : memref<!tpu.dma_semaphore, #tpu.memory_space<semaphore_mem>>) src(%dma_wait3A_53 : memref<632x64xf32, #tpu.memory_space<hbm>>) dst(%dma_wait3A_51 : memref<632x64xf32, #tpu.memory_space<vmem_shared>>)
      tpu.yield
    }) : () -> ()
    %mul3A_5 = arith.constant 632 : i32
    %mul3A_6 = arith.muli %arg1, %mul3A_5 : i32
    %mul3A_7 = arith.constant 632 : i32
    %mul3A_8 = arith.muli %arg1, %mul3A_7 : i32
    "tpu.region"() ({
      %run_scoped3A_45 = tpu.sem_alloc : memref<!tpu.dma_semaphore, #tpu.memory_space<semaphore_mem>>
      %dma_start3A_46 = arith.constant 0 : i32
      %dma_start3A_47 = tpu.memref_slice %arg11[%mul3A_8, %dma_start3A_46] : memref<10112x64xf32, #tpu.memory_space<vmem_shared>> -> memref<632x64xf32, #tpu.memory_space<vmem_shared>>
      %dma_start3A_48 = arith.constant 0 : i32
      %dma_start3A_49 = tpu.memref_slice %arg2[%mul3A_6, %dma_start3A_48] : memref<10112x64xf32, #tpu.memory_space<hbm>> -> memref<632x64xf32, #tpu.memory_space<hbm>>
      tpu.enqueue_dma source(%dma_start3A_49 : memref<632x64xf32, #tpu.memory_space<hbm>>) target(%dma_start3A_47 : memref<632x64xf32, #tpu.memory_space<vmem_shared>>) target_semaphore(%run_scoped3A_45 : memref<!tpu.dma_semaphore, #tpu.memory_space<semaphore_mem>>)
      %dma_wait3A_50 = arith.constant 0 : i32
      %dma_wait3A_51 = tpu.memref_slice %arg11[%mul3A_8, %dma_wait3A_50] : memref<10112x64xf32, #tpu.memory_space<vmem_shared>> -> memref<632x64xf32, #tpu.memory_space<vmem_shared>>
      %dma_wait3A_52 = arith.constant 0 : i32
      %dma_wait3A_53 = tpu.memref_slice %arg2[%mul3A_6, %dma_wait3A_52] : memref<10112x64xf32, #tpu.memory_space<hbm>> -> memref<632x64xf32, #tpu.memory_space<hbm>>
      tpu.wait_dma2 semaphore(%run_scoped3A_45 : memref<!tpu.dma_semaphore, #tpu.memory_space<semaphore_mem>>) src(%dma_wait3A_53 : memref<632x64xf32, #tpu.memory_space<hbm>>) dst(%dma_wait3A_51 : memref<632x64xf32, #tpu.memory_space<vmem_shared>>)
      tpu.yield
    }) : () -> ()
    "tpu.region"() ({
      %run_scoped3A_45 = tpu.sem_alloc : memref<!tpu.dma_semaphore, #tpu.memory_space<semaphore_mem>>
      %dma_start3A_46 = arith.constant 0 : i32
      %dma_start3A_47 = arith.constant 0 : i32
      %dma_start3A_48 = tpu.memref_slice %arg4[%add3A, %dma_start3A_46, %dma_start3A_47] : memref<32x80x128xi32, #tpu.memory_space<hbm>> -> memref<1x80x128xi32, #tpu.memory_space<hbm>>
      %dma_start3A_49 = tpu.memref_squeeze %dma_start3A_48 : memref<1x80x128xi32, #tpu.memory_space<hbm>> -> memref<80x128xi32, #tpu.memory_space<hbm>>
      %dma_start3A_50 = arith.constant 0 : i32
      %dma_start3A_51 = arith.constant 0 : i32
      %dma_start3A_52 = tpu.memref_slice %arg4[%add3A, %dma_start3A_50, %dma_start3A_51] : memref<32x80x128xi32, #tpu.memory_space<hbm>> -> memref<1x80x128xi32, #tpu.memory_space<hbm>>
      %dma_start3A_53 = tpu.memref_squeeze %dma_start3A_52 : memref<1x80x128xi32, #tpu.memory_space<hbm>> -> memref<80x128xi32, #tpu.memory_space<hbm>>
      tpu.enqueue_dma source(%dma_start3A_53 : memref<80x128xi32, #tpu.memory_space<hbm>>) target(%arg7 : memref<80x128xi32, #tpu.memory_space<vmem>>) target_semaphore(%run_scoped3A_45 : memref<!tpu.dma_semaphore, #tpu.memory_space<semaphore_mem>>)
      %dma_wait3A_54 = arith.constant 0 : i32
      %dma_wait3A_55 = arith.constant 0 : i32
      %dma_wait3A_56 = tpu.memref_slice %arg4[%add3A, %dma_wait3A_54, %dma_wait3A_55] : memref<32x80x128xi32, #tpu.memory_space<hbm>> -> memref<1x80x128xi32, #tpu.memory_space<hbm>>
      %dma_wait3A_57 = tpu.memref_squeeze %dma_wait3A_56 : memref<1x80x128xi32, #tpu.memory_space<hbm>> -> memref<80x128xi32, #tpu.memory_space<hbm>>
      %dma_wait3A_58 = arith.constant 0 : i32
      %dma_wait3A_59 = arith.constant 0 : i32
      %dma_wait3A_60 = tpu.memref_slice %arg4[%add3A, %dma_wait3A_58, %dma_wait3A_59] : memref<32x80x128xi32, #tpu.memory_space<hbm>> -> memref<1x80x128xi32, #tpu.memory_space<hbm>>
      %dma_wait3A_61 = tpu.memref_squeeze %dma_wait3A_60 : memref<1x80x128xi32, #tpu.memory_space<hbm>> -> memref<80x128xi32, #tpu.memory_space<hbm>>
      tpu.wait_dma2 semaphore(%run_scoped3A_45 : memref<!tpu.dma_semaphore, #tpu.memory_space<semaphore_mem>>) src(%dma_wait3A_61 : memref<80x128xi32, #tpu.memory_space<hbm>>) dst(%arg7 : memref<80x128xi32, #tpu.memory_space<vmem>>)
      tpu.yield
    }) : () -> ()
    "tpu.region"() ({
      %run_scoped3A_45 = tpu.sem_alloc : memref<!tpu.dma_semaphore, #tpu.memory_space<semaphore_mem>>
      %dma_start3A_46 = arith.constant 0 : i32
      %dma_start3A_47 = arith.constant 0 : i32
      %dma_start3A_48 = tpu.memref_slice %arg5[%add3A, %dma_start3A_46, %dma_start3A_47] : memref<32x80x128xi32, #tpu.memory_space<hbm>> -> memref<1x80x128xi32, #tpu.memory_space<hbm>>
      %dma_start3A_49 = tpu.memref_squeeze %dma_start3A_48 : memref<1x80x128xi32, #tpu.memory_space<hbm>> -> memref<80x128xi32, #tpu.memory_space<hbm>>
      %dma_start3A_50 = arith.constant 0 : i32
      %dma_start3A_51 = arith.constant 0 : i32
      %dma_start3A_52 = tpu.memref_slice %arg5[%add3A, %dma_start3A_50, %dma_start3A_51] : memref<32x80x128xi32, #tpu.memory_space<hbm>> -> memref<1x80x128xi32, #tpu.memory_space<hbm>>
      %dma_start3A_53 = tpu.memref_squeeze %dma_start3A_52 : memref<1x80x128xi32, #tpu.memory_space<hbm>> -> memref<80x128xi32, #tpu.memory_space<hbm>>
      tpu.enqueue_dma source(%dma_start3A_53 : memref<80x128xi32, #tpu.memory_space<hbm>>) target(%arg8 : memref<80x128xi32, #tpu.memory_space<vmem>>) target_semaphore(%run_scoped3A_45 : memref<!tpu.dma_semaphore, #tpu.memory_space<semaphore_mem>>)
      %dma_wait3A_54 = arith.constant 0 : i32
      %dma_wait3A_55 = arith.constant 0 : i32
      %dma_wait3A_56 = tpu.memref_slice %arg5[%add3A, %dma_wait3A_54, %dma_wait3A_55] : memref<32x80x128xi32, #tpu.memory_space<hbm>> -> memref<1x80x128xi32, #tpu.memory_space<hbm>>
      %dma_wait3A_57 = tpu.memref_squeeze %dma_wait3A_56 : memref<1x80x128xi32, #tpu.memory_space<hbm>> -> memref<80x128xi32, #tpu.memory_space<hbm>>
      %dma_wait3A_58 = arith.constant 0 : i32
      %dma_wait3A_59 = arith.constant 0 : i32
      %dma_wait3A_60 = tpu.memref_slice %arg5[%add3A, %dma_wait3A_58, %dma_wait3A_59] : memref<32x80x128xi32, #tpu.memory_space<hbm>> -> memref<1x80x128xi32, #tpu.memory_space<hbm>>
      %dma_wait3A_61 = tpu.memref_squeeze %dma_wait3A_60 : memref<1x80x128xi32, #tpu.memory_space<hbm>> -> memref<80x128xi32, #tpu.memory_space<hbm>>
      tpu.wait_dma2 semaphore(%run_scoped3A_45 : memref<!tpu.dma_semaphore, #tpu.memory_space<semaphore_mem>>) src(%dma_wait3A_61 : memref<80x128xi32, #tpu.memory_space<hbm>>) dst(%arg8 : memref<80x128xi32, #tpu.memory_space<vmem>>)
      tpu.yield
    }) : () -> ()
    %barrier3A = arith.constant 0 : index
    tpu.barrier barrier_id(%barrier3A)
    %dma_start3A = arith.constant 0 : i32
    %dma_start3A_9 = arith.constant 0 : i32
    %dma_start3A_10 = tpu.memref_slice %arg7[%dma_start3A, %dma_start3A_9] : memref<80x128xi32, #tpu.memory_space<vmem>> -> memref<1x128xi32, #tpu.memory_space<vmem>>
    %dma_start3A_11 = tpu.memref_squeeze %dma_start3A_10 : memref<1x128xi32, #tpu.memory_space<vmem>> -> memref<128xi32, #tpu.memory_space<vmem>>
    %dma_start3A_12 = arith.constant 0 : i32
    %dma_start3A_13 = arith.constant 0 : i32
    %dma_start3A_14 = tpu.memref_slice %arg11[%dma_start3A_12, %dma_start3A_13] : memref<10112x64xf32, #tpu.memory_space<vmem_shared>> -> memref<10112x64xf32, #tpu.memory_space<vmem_shared>>
    tpu.enqueue_indirect_dma source(%dma_start3A_14 : memref<10112x64xf32, #tpu.memory_space<vmem_shared>>) target(%arg9 : memref<128x64xf32, #tpu.memory_space<vmem>>) offsets(%dma_start3A_11 : memref<128xi32, #tpu.memory_space<vmem>>) semaphore(%arg13 : memref<!tpu.dma_semaphore, #tpu.memory_space<semaphore_mem>>)
    %scan3A = arith.constant 0 : i32
    %scan3A_15 = arith.constant 39 : i32
    %scan3A_16 = arith.addi %scan3A, %scan3A_15 : i32
    %scan3A_17 = arith.constant 1 : i32
    scf.for %scan3A_45 = %scan3A to %scan3A_16 step %scan3A_17  : i32 {
      %mul3A_46 = arith.constant 2 : i32
      %mul3A_47 = arith.muli %scan3A_45, %mul3A_46 : i32
      %add3A_48 = arith.constant 0 : i32
      %add3A_49 = arith.addi %add3A_48, %mul3A_47 : i32
      %add3A_50 = arith.constant 1 : i32
      %add3A_51 = arith.addi %add3A_49, %add3A_50 : i32
      %dma_start3A_52 = arith.constant 0 : i32
      %dma_start3A_53 = tpu.memref_slice %arg7[%add3A_51, %dma_start3A_52] : memref<80x128xi32, #tpu.memory_space<vmem>> -> memref<1x128xi32, #tpu.memory_space<vmem>>
      %dma_start3A_54 = tpu.memref_squeeze %dma_start3A_53 : memref<1x128xi32, #tpu.memory_space<vmem>> -> memref<128xi32, #tpu.memory_space<vmem>>
      %dma_start3A_55 = arith.constant 0 : i32
      %dma_start3A_56 = arith.constant 0 : i32
      %dma_start3A_57 = tpu.memref_slice %arg11[%dma_start3A_55, %dma_start3A_56] : memref<10112x64xf32, #tpu.memory_space<vmem_shared>> -> memref<10112x64xf32, #tpu.memory_space<vmem_shared>>
      tpu.enqueue_indirect_dma source(%dma_start3A_57 : memref<10112x64xf32, #tpu.memory_space<vmem_shared>>) target(%arg10 : memref<128x64xf32, #tpu.memory_space<vmem>>) offsets(%dma_start3A_54 : memref<128xi32, #tpu.memory_space<vmem>>) semaphore(%arg14 : memref<!tpu.dma_semaphore, #tpu.memory_space<semaphore_mem>>)
      %dma_wait3A_58 = arith.constant 0 : i32
      %dma_wait3A_59 = tpu.memref_slice %arg7[%add3A_49, %dma_wait3A_58] : memref<80x128xi32, #tpu.memory_space<vmem>> -> memref<1x128xi32, #tpu.memory_space<vmem>>
      %dma_wait3A_60 = tpu.memref_squeeze %dma_wait3A_59 : memref<1x128xi32, #tpu.memory_space<vmem>> -> memref<128xi32, #tpu.memory_space<vmem>>
      %dma_wait3A_61 = arith.constant 0 : i32
      %dma_wait3A_62 = arith.constant 0 : i32
      %dma_wait3A_63 = tpu.memref_slice %arg11[%dma_wait3A_61, %dma_wait3A_62] : memref<10112x64xf32, #tpu.memory_space<vmem_shared>> -> memref<10112x64xf32, #tpu.memory_space<vmem_shared>>
      tpu.wait_indirect_dma semaphore(%arg13 : memref<!tpu.dma_semaphore, #tpu.memory_space<semaphore_mem>>) src(%dma_wait3A_63 : memref<10112x64xf32, #tpu.memory_space<vmem_shared>>) dst(%arg9 : memref<128x64xf32, #tpu.memory_space<vmem>>)
      "tpu.region"() ({
        %run_scoped3A_82 = tpu.sem_alloc : memref<!tpu.dma_semaphore, #tpu.memory_space<semaphore_mem>>
        %dma_start3A_83 = arith.constant 0 : i32
        %dma_start3A_84 = tpu.memref_slice %arg8[%add3A_49, %dma_start3A_83] : memref<80x128xi32, #tpu.memory_space<vmem>> -> memref<1x128xi32, #tpu.memory_space<vmem>>
        %dma_start3A_85 = tpu.memref_squeeze %dma_start3A_84 : memref<1x128xi32, #tpu.memory_space<vmem>> -> memref<128xi32, #tpu.memory_space<vmem>>
        %dma_start3A_86 = arith.constant 0 : i32
        %dma_start3A_87 = arith.constant 0 : i32
        %dma_start3A_88 = tpu.memref_slice %arg12[%dma_start3A_86, %dma_start3A_87] : memref<10112x64xf32, #tpu.memory_space<vmem_shared>> -> memref<10112x64xf32, #tpu.memory_space<vmem_shared>>
        tpu.enqueue_indirect_dma source(%arg9 : memref<128x64xf32, #tpu.memory_space<vmem>>) target(%dma_start3A_88 : memref<10112x64xf32, #tpu.memory_space<vmem_shared>>) offsets(%dma_start3A_85 : memref<128xi32, #tpu.memory_space<vmem>>) semaphore(%run_scoped3A_82 : memref<!tpu.dma_semaphore, #tpu.memory_space<semaphore_mem>>) {add = true}
        %dma_wait3A_89 = arith.constant 0 : i32
        %dma_wait3A_90 = tpu.memref_slice %arg8[%add3A_49, %dma_wait3A_89] : memref<80x128xi32, #tpu.memory_space<vmem>> -> memref<1x128xi32, #tpu.memory_space<vmem>>
        %dma_wait3A_91 = tpu.memref_squeeze %dma_wait3A_90 : memref<1x128xi32, #tpu.memory_space<vmem>> -> memref<128xi32, #tpu.memory_space<vmem>>
        %dma_wait3A_92 = arith.constant 0 : i32
        %dma_wait3A_93 = arith.constant 0 : i32
        %dma_wait3A_94 = tpu.memref_slice %arg12[%dma_wait3A_92, %dma_wait3A_93] : memref<10112x64xf32, #tpu.memory_space<vmem_shared>> -> memref<10112x64xf32, #tpu.memory_space<vmem_shared>>
        tpu.wait_indirect_dma semaphore(%run_scoped3A_82 : memref<!tpu.dma_semaphore, #tpu.memory_space<semaphore_mem>>) src(%arg9 : memref<128x64xf32, #tpu.memory_space<vmem>>) dst(%dma_wait3A_94 : memref<10112x64xf32, #tpu.memory_space<vmem_shared>>)
        tpu.yield
      }) : () -> ()
      %add3A_64 = arith.constant 2 : i32
      %add3A_65 = arith.addi %add3A_49, %add3A_64 : i32
      %dma_start3A_66 = arith.constant 0 : i32
      %dma_start3A_67 = tpu.memref_slice %arg7[%add3A_65, %dma_start3A_66] : memref<80x128xi32, #tpu.memory_space<vmem>> -> memref<1x128xi32, #tpu.memory_space<vmem>>
      %dma_start3A_68 = tpu.memref_squeeze %dma_start3A_67 : memref<1x128xi32, #tpu.memory_space<vmem>> -> memref<128xi32, #tpu.memory_space<vmem>>
      %dma_start3A_69 = arith.constant 0 : i32
      %dma_start3A_70 = arith.constant 0 : i32
      %dma_start3A_71 = tpu.memref_slice %arg11[%dma_start3A_69, %dma_start3A_70] : memref<10112x64xf32, #tpu.memory_space<vmem_shared>> -> memref<10112x64xf32, #tpu.memory_space<vmem_shared>>
      tpu.enqueue_indirect_dma source(%dma_start3A_71 : memref<10112x64xf32, #tpu.memory_space<vmem_shared>>) target(%arg9 : memref<128x64xf32, #tpu.memory_space<vmem>>) offsets(%dma_start3A_68 : memref<128xi32, #tpu.memory_space<vmem>>) semaphore(%arg13 : memref<!tpu.dma_semaphore, #tpu.memory_space<semaphore_mem>>)
      %add3A_72 = arith.constant 1 : i32
      %add3A_73 = arith.addi %add3A_49, %add3A_72 : i32
      %dma_wait3A_74 = arith.constant 0 : i32
      %dma_wait3A_75 = tpu.memref_slice %arg7[%add3A_73, %dma_wait3A_74] : memref<80x128xi32, #tpu.memory_space<vmem>> -> memref<1x128xi32, #tpu.memory_space<vmem>>
      %dma_wait3A_76 = tpu.memref_squeeze %dma_wait3A_75 : memref<1x128xi32, #tpu.memory_space<vmem>> -> memref<128xi32, #tpu.memory_space<vmem>>
      %dma_wait3A_77 = arith.constant 0 : i32
      %dma_wait3A_78 = arith.constant 0 : i32
      %dma_wait3A_79 = tpu.memref_slice %arg11[%dma_wait3A_77, %dma_wait3A_78] : memref<10112x64xf32, #tpu.memory_space<vmem_shared>> -> memref<10112x64xf32, #tpu.memory_space<vmem_shared>>
      tpu.wait_indirect_dma semaphore(%arg14 : memref<!tpu.dma_semaphore, #tpu.memory_space<semaphore_mem>>) src(%dma_wait3A_79 : memref<10112x64xf32, #tpu.memory_space<vmem_shared>>) dst(%arg10 : memref<128x64xf32, #tpu.memory_space<vmem>>)
      %add3A_80 = arith.constant 1 : i32
      %add3A_81 = arith.addi %add3A_49, %add3A_80 : i32
      "tpu.region"() ({
        %run_scoped3A_82 = tpu.sem_alloc : memref<!tpu.dma_semaphore, #tpu.memory_space<semaphore_mem>>
        %dma_start3A_83 = arith.constant 0 : i32
        %dma_start3A_84 = tpu.memref_slice %arg8[%add3A_81, %dma_start3A_83] : memref<80x128xi32, #tpu.memory_space<vmem>> -> memref<1x128xi32, #tpu.memory_space<vmem>>
        %dma_start3A_85 = tpu.memref_squeeze %dma_start3A_84 : memref<1x128xi32, #tpu.memory_space<vmem>> -> memref<128xi32, #tpu.memory_space<vmem>>
        %dma_start3A_86 = arith.constant 0 : i32
        %dma_start3A_87 = arith.constant 0 : i32
        %dma_start3A_88 = tpu.memref_slice %arg12[%dma_start3A_86, %dma_start3A_87] : memref<10112x64xf32, #tpu.memory_space<vmem_shared>> -> memref<10112x64xf32, #tpu.memory_space<vmem_shared>>
        tpu.enqueue_indirect_dma source(%arg10 : memref<128x64xf32, #tpu.memory_space<vmem>>) target(%dma_start3A_88 : memref<10112x64xf32, #tpu.memory_space<vmem_shared>>) offsets(%dma_start3A_85 : memref<128xi32, #tpu.memory_space<vmem>>) semaphore(%run_scoped3A_82 : memref<!tpu.dma_semaphore, #tpu.memory_space<semaphore_mem>>) {add = true}
        %dma_wait3A_89 = arith.constant 0 : i32
        %dma_wait3A_90 = tpu.memref_slice %arg8[%add3A_81, %dma_wait3A_89] : memref<80x128xi32, #tpu.memory_space<vmem>> -> memref<1x128xi32, #tpu.memory_space<vmem>>
        %dma_wait3A_91 = tpu.memref_squeeze %dma_wait3A_90 : memref<1x128xi32, #tpu.memory_space<vmem>> -> memref<128xi32, #tpu.memory_space<vmem>>
        %dma_wait3A_92 = arith.constant 0 : i32
        %dma_wait3A_93 = arith.constant 0 : i32
        %dma_wait3A_94 = tpu.memref_slice %arg12[%dma_wait3A_92, %dma_wait3A_93] : memref<10112x64xf32, #tpu.memory_space<vmem_shared>> -> memref<10112x64xf32, #tpu.memory_space<vmem_shared>>
        tpu.wait_indirect_dma semaphore(%run_scoped3A_82 : memref<!tpu.dma_semaphore, #tpu.memory_space<semaphore_mem>>) src(%arg10 : memref<128x64xf32, #tpu.memory_space<vmem>>) dst(%dma_wait3A_94 : memref<10112x64xf32, #tpu.memory_space<vmem_shared>>)
        tpu.yield
      }) : () -> ()
    }
    %scan3A_18 = arith.constant 39 : i32
    %dma_start3A_19 = arith.constant 79 : i32
    %dma_start3A_20 = arith.constant 0 : i32
    %dma_start3A_21 = tpu.memref_slice %arg7[%dma_start3A_19, %dma_start3A_20] : memref<80x128xi32, #tpu.memory_space<vmem>> -> memref<1x128xi32, #tpu.memory_space<vmem>>
    %dma_start3A_22 = tpu.memref_squeeze %dma_start3A_21 : memref<1x128xi32, #tpu.memory_space<vmem>> -> memref<128xi32, #tpu.memory_space<vmem>>
    %dma_start3A_23 = arith.constant 0 : i32
    %dma_start3A_24 = arith.constant 0 : i32
    %dma_start3A_25 = tpu.memref_slice %arg11[%dma_start3A_23, %dma_start3A_24] : memref<10112x64xf32, #tpu.memory_space<vmem_shared>> -> memref<10112x64xf32, #tpu.memory_space<vmem_shared>>
    tpu.enqueue_indirect_dma source(%dma_start3A_25 : memref<10112x64xf32, #tpu.memory_space<vmem_shared>>) target(%arg10 : memref<128x64xf32, #tpu.memory_space<vmem>>) offsets(%dma_start3A_22 : memref<128xi32, #tpu.memory_space<vmem>>) semaphore(%arg14 : memref<!tpu.dma_semaphore, #tpu.memory_space<semaphore_mem>>)
    %dma_wait3A = arith.constant 78 : i32
    %dma_wait3A_26 = arith.constant 0 : i32
    %dma_wait3A_27 = tpu.memref_slice %arg7[%dma_wait3A, %dma_wait3A_26] : memref<80x128xi32, #tpu.memory_space<vmem>> -> memref<1x128xi32, #tpu.memory_space<vmem>>
    %dma_wait3A_28 = tpu.memref_squeeze %dma_wait3A_27 : memref<1x128xi32, #tpu.memory_space<vmem>> -> memref<128xi32, #tpu.memory_space<vmem>>
    %dma_wait3A_29 = arith.constant 0 : i32
    %dma_wait3A_30 = arith.constant 0 : i32
    %dma_wait3A_31 = tpu.memref_slice %arg11[%dma_wait3A_29, %dma_wait3A_30] : memref<10112x64xf32, #tpu.memory_space<vmem_shared>> -> memref<10112x64xf32, #tpu.memory_space<vmem_shared>>
    tpu.wait_indirect_dma semaphore(%arg13 : memref<!tpu.dma_semaphore, #tpu.memory_space<semaphore_mem>>) src(%dma_wait3A_31 : memref<10112x64xf32, #tpu.memory_space<vmem_shared>>) dst(%arg9 : memref<128x64xf32, #tpu.memory_space<vmem>>)
    %run_scoped3A = arith.constant 78 : i32
    "tpu.region"() ({
      %run_scoped3A_45 = tpu.sem_alloc : memref<!tpu.dma_semaphore, #tpu.memory_space<semaphore_mem>>
      %dma_start3A_46 = arith.constant 0 : i32
      %dma_start3A_47 = tpu.memref_slice %arg8[%run_scoped3A, %dma_start3A_46] : memref<80x128xi32, #tpu.memory_space<vmem>> -> memref<1x128xi32, #tpu.memory_space<vmem>>
      %dma_start3A_48 = tpu.memref_squeeze %dma_start3A_47 : memref<1x128xi32, #tpu.memory_space<vmem>> -> memref<128xi32, #tpu.memory_space<vmem>>
      %dma_start3A_49 = arith.constant 0 : i32
      %dma_start3A_50 = arith.constant 0 : i32
      %dma_start3A_51 = tpu.memref_slice %arg12[%dma_start3A_49, %dma_start3A_50] : memref<10112x64xf32, #tpu.memory_space<vmem_shared>> -> memref<10112x64xf32, #tpu.memory_space<vmem_shared>>
      tpu.enqueue_indirect_dma source(%arg9 : memref<128x64xf32, #tpu.memory_space<vmem>>) target(%dma_start3A_51 : memref<10112x64xf32, #tpu.memory_space<vmem_shared>>) offsets(%dma_start3A_48 : memref<128xi32, #tpu.memory_space<vmem>>) semaphore(%run_scoped3A_45 : memref<!tpu.dma_semaphore, #tpu.memory_space<semaphore_mem>>) {add = true}
      %dma_wait3A_52 = arith.constant 0 : i32
      %dma_wait3A_53 = tpu.memref_slice %arg8[%run_scoped3A, %dma_wait3A_52] : memref<80x128xi32, #tpu.memory_space<vmem>> -> memref<1x128xi32, #tpu.memory_space<vmem>>
      %dma_wait3A_54 = tpu.memref_squeeze %dma_wait3A_53 : memref<1x128xi32, #tpu.memory_space<vmem>> -> memref<128xi32, #tpu.memory_space<vmem>>
      %dma_wait3A_55 = arith.constant 0 : i32
      %dma_wait3A_56 = arith.constant 0 : i32
      %dma_wait3A_57 = tpu.memref_slice %arg12[%dma_wait3A_55, %dma_wait3A_56] : memref<10112x64xf32, #tpu.memory_space<vmem_shared>> -> memref<10112x64xf32, #tpu.memory_space<vmem_shared>>
      tpu.wait_indirect_dma semaphore(%run_scoped3A_45 : memref<!tpu.dma_semaphore, #tpu.memory_space<semaphore_mem>>) src(%arg9 : memref<128x64xf32, #tpu.memory_space<vmem>>) dst(%dma_wait3A_57 : memref<10112x64xf32, #tpu.memory_space<vmem_shared>>)
      tpu.yield
    }) : () -> ()
    %dma_wait3A_32 = arith.constant 79 : i32
    %dma_wait3A_33 = arith.constant 0 : i32
    %dma_wait3A_34 = tpu.memref_slice %arg7[%dma_wait3A_32, %dma_wait3A_33] : memref<80x128xi32, #tpu.memory_space<vmem>> -> memref<1x128xi32, #tpu.memory_space<vmem>>
    %dma_wait3A_35 = tpu.memref_squeeze %dma_wait3A_34 : memref<1x128xi32, #tpu.memory_space<vmem>> -> memref<128xi32, #tpu.memory_space<vmem>>
    %dma_wait3A_36 = arith.constant 0 : i32
    %dma_wait3A_37 = arith.constant 0 : i32
    %dma_wait3A_38 = tpu.memref_slice %arg11[%dma_wait3A_36, %dma_wait3A_37] : memref<10112x64xf32, #tpu.memory_space<vmem_shared>> -> memref<10112x64xf32, #tpu.memory_space<vmem_shared>>
    tpu.wait_indirect_dma semaphore(%arg14 : memref<!tpu.dma_semaphore, #tpu.memory_space<semaphore_mem>>) src(%dma_wait3A_38 : memref<10112x64xf32, #tpu.memory_space<vmem_shared>>) dst(%arg10 : memref<128x64xf32, #tpu.memory_space<vmem>>)
    %run_scoped3A_39 = arith.constant 79 : i32
    "tpu.region"() ({
      %run_scoped3A_45 = tpu.sem_alloc : memref<!tpu.dma_semaphore, #tpu.memory_space<semaphore_mem>>
      %dma_start3A_46 = arith.constant 0 : i32
      %dma_start3A_47 = tpu.memref_slice %arg8[%run_scoped3A_39, %dma_start3A_46] : memref<80x128xi32, #tpu.memory_space<vmem>> -> memref<1x128xi32, #tpu.memory_space<vmem>>
      %dma_start3A_48 = tpu.memref_squeeze %dma_start3A_47 : memref<1x128xi32, #tpu.memory_space<vmem>> -> memref<128xi32, #tpu.memory_space<vmem>>
      %dma_start3A_49 = arith.constant 0 : i32
      %dma_start3A_50 = arith.constant 0 : i32
      %dma_start3A_51 = tpu.memref_slice %arg12[%dma_start3A_49, %dma_start3A_50] : memref<10112x64xf32, #tpu.memory_space<vmem_shared>> -> memref<10112x64xf32, #tpu.memory_space<vmem_shared>>
      tpu.enqueue_indirect_dma source(%arg10 : memref<128x64xf32, #tpu.memory_space<vmem>>) target(%dma_start3A_51 : memref<10112x64xf32, #tpu.memory_space<vmem_shared>>) offsets(%dma_start3A_48 : memref<128xi32, #tpu.memory_space<vmem>>) semaphore(%run_scoped3A_45 : memref<!tpu.dma_semaphore, #tpu.memory_space<semaphore_mem>>) {add = true}
      %dma_wait3A_52 = arith.constant 0 : i32
      %dma_wait3A_53 = tpu.memref_slice %arg8[%run_scoped3A_39, %dma_wait3A_52] : memref<80x128xi32, #tpu.memory_space<vmem>> -> memref<1x128xi32, #tpu.memory_space<vmem>>
      %dma_wait3A_54 = tpu.memref_squeeze %dma_wait3A_53 : memref<1x128xi32, #tpu.memory_space<vmem>> -> memref<128xi32, #tpu.memory_space<vmem>>
      %dma_wait3A_55 = arith.constant 0 : i32
      %dma_wait3A_56 = arith.constant 0 : i32
      %dma_wait3A_57 = tpu.memref_slice %arg12[%dma_wait3A_55, %dma_wait3A_56] : memref<10112x64xf32, #tpu.memory_space<vmem_shared>> -> memref<10112x64xf32, #tpu.memory_space<vmem_shared>>
      tpu.wait_indirect_dma semaphore(%run_scoped3A_45 : memref<!tpu.dma_semaphore, #tpu.memory_space<semaphore_mem>>) src(%arg10 : memref<128x64xf32, #tpu.memory_space<vmem>>) dst(%dma_wait3A_57 : memref<10112x64xf32, #tpu.memory_space<vmem_shared>>)
      tpu.yield
    }) : () -> ()
    %barrier3A_40 = arith.constant 0 : index
    tpu.barrier barrier_id(%barrier3A_40)
    %mul3A_41 = arith.constant 632 : i32
    %mul3A_42 = arith.muli %arg1, %mul3A_41 : i32
    %mul3A_43 = arith.constant 632 : i32
    %mul3A_44 = arith.muli %arg1, %mul3A_43 : i32
    "tpu.region"() ({
      %run_scoped3A_45 = tpu.sem_alloc : memref<!tpu.dma_semaphore, #tpu.memory_space<semaphore_mem>>
      %dma_start3A_46 = arith.constant 0 : i32
      %dma_start3A_47 = tpu.memref_slice %arg6[%arg0, %mul3A_44, %dma_start3A_46] : memref<2x10112x64xf32, #tpu.memory_space<hbm>> -> memref<1x632x64xf32, #tpu.memory_space<hbm>>
      %dma_start3A_48 = tpu.memref_squeeze %dma_start3A_47 : memref<1x632x64xf32, #tpu.memory_space<hbm>> -> memref<632x64xf32, #tpu.memory_space<hbm>>
      %dma_start3A_49 = arith.constant 0 : i32
      %dma_start3A_50 = tpu.memref_slice %arg12[%mul3A_42, %dma_start3A_49] : memref<10112x64xf32, #tpu.memory_space<vmem_shared>> -> memref<632x64xf32, #tpu.memory_space<vmem_shared>>
      tpu.enqueue_dma source(%dma_start3A_50 : memref<632x64xf32, #tpu.memory_space<vmem_shared>>) target(%dma_start3A_48 : memref<632x64xf32, #tpu.memory_space<hbm>>) target_semaphore(%run_scoped3A_45 : memref<!tpu.dma_semaphore, #tpu.memory_space<semaphore_mem>>)
      %dma_wait3A_51 = arith.constant 0 : i32
      %dma_wait3A_52 = tpu.memref_slice %arg6[%arg0, %mul3A_44, %dma_wait3A_51] : memref<2x10112x64xf32, #tpu.memory_space<hbm>> -> memref<1x632x64xf32, #tpu.memory_space<hbm>>
      %dma_wait3A_53 = tpu.memref_squeeze %dma_wait3A_52 : memref<1x632x64xf32, #tpu.memory_space<hbm>> -> memref<632x64xf32, #tpu.memory_space<hbm>>
      %dma_wait3A_54 = arith.constant 0 : i32
      %dma_wait3A_55 = tpu.memref_slice %arg12[%mul3A_42, %dma_wait3A_54] : memref<10112x64xf32, #tpu.memory_space<vmem_shared>> -> memref<632x64xf32, #tpu.memory_space<vmem_shared>>
      tpu.wait_dma2 semaphore(%run_scoped3A_45 : memref<!tpu.dma_semaphore, #tpu.memory_space<semaphore_mem>>) src(%dma_wait3A_55 : memref<632x64xf32, #tpu.memory_space<vmem_shared>>) dst(%dma_wait3A_53 : memref<632x64xf32, #tpu.memory_space<hbm>>)
      tpu.yield
    }) : () -> ()
    return
  }
}

module attributes {stable_mosaic.version = 14 : i64} {
  func.func @body(%arg0: memref<10000x128xf32, #tpu.memory_space<vmem>>, %arg1: memref<1x10000xi32, #tpu.memory_space<vmem>>, %arg2: memref<1x128xf32, #tpu.memory_space<vmem>>, %arg3: memref<1x128xf32, #tpu.memory_space<vmem>>, %arg4: memref<1x128xf32, #tpu.memory_space<vmem>>, %arg5: memref<128x64xf32, #tpu.memory_space<vmem>>, %arg6: memref<1x64xf32, #tpu.memory_space<vmem>>, %arg7: memref<128x64xf32, #tpu.memory_space<vmem>>, %arg8: memref<10112x64xf32, #tpu.memory_space<vmem>>, %arg9: memref<10000x64xf32, #tpu.memory_space<vmem>>) attributes {dimension_semantics = [], scalar_prefetch = 0 : i64, scratch_operands = 0 : i64, tpu.core_type = #tpu.core_type<tc>} {
    %get3A = arith.constant 0 : index
    %get3A_0 = arith.constant 0 : index
    %get3A_1 = vector.load %arg1[%get3A, %get3A_0] : memref<1x10000xi32, #tpu.memory_space<vmem>>, vector<1x10000xi32>
    %iota3A = tpu.iota {dimensions = array<i32: 0>} : vector<128x10000xi32>
    %eq3A = vector.broadcast %get3A_1 : vector<1x10000xi32> to vector<128x10000xi32>
    %eq3A_2 = arith.cmpi eq, %iota3A, %eq3A : vector<128x10000xi32>
    %convert_element_type3A = arith.extui %eq3A_2 : vector<128x10000xi1> to vector<128x10000xi32>
    %convert_element_type3A_3 = arith.sitofp %convert_element_type3A : vector<128x10000xi32> to vector<128x10000xf32>
    %convert_element_type3A_4 = arith.truncf %convert_element_type3A_3 : vector<128x10000xf32> to vector<128x10000xbf16>
    %get3A_5 = arith.constant 0 : index
    %get3A_6 = arith.constant 0 : index
    %get3A_7 = vector.load %arg0[%get3A_5, %get3A_6] : memref<10000x128xf32, #tpu.memory_space<vmem>>, vector<10000x128xf32>
    %get3A_8 = arith.constant 0 : index
    %get3A_9 = arith.constant 0 : index
    %get3A_10 = vector.load %arg4[%get3A_8, %get3A_9] : memref<1x128xf32, #tpu.memory_space<vmem>>, vector<1x128xf32>
    %convert_element_type3A_11 = arith.extf %convert_element_type3A_4 : vector<128x10000xbf16> to vector<128x10000xf32>
    %reduce_sum3A = arith.constant dense<0.000000e+00> : vector<128xf32>
    %reduce_sum3A_12 = vector.multi_reduction <add>, %convert_element_type3A_11, %reduce_sum3A [1] : vector<128x10000xf32> to vector<128xf32>
    %broadcast_in_dim3A = vector.shape_cast %reduce_sum3A_12 : vector<128xf32> to vector<128x1xf32>
    %max3A = arith.constant 1.000000e+00 : f32
    %max3A_13 = vector.broadcast %max3A : f32 to vector<128x1xf32>
    %max3A_14 = arith.maximumf %broadcast_in_dim3A, %max3A_13 : vector<128x1xf32>
    %convert_element_type3A_15 = arith.truncf %get3A_7 : vector<10000x128xf32> to vector<10000x128xbf16>
    %convert_element_type3A_16 = arith.extf %convert_element_type3A_15 : vector<10000x128xbf16> to vector<10000x128xf32>
    %sub3A = arith.subf %get3A_7, %convert_element_type3A_16 : vector<10000x128xf32>
    %convert_element_type3A_17 = arith.truncf %sub3A : vector<10000x128xf32> to vector<10000x128xbf16>
    %dot_general3A = arith.constant dense<0.000000e+00> : vector<128x128xf32>
    %dot_general3A_18 = tpu.matmul %convert_element_type3A_4, %convert_element_type3A_15, %dot_general3A {dimension_numbers = #tpu.dot_dimension_numbers<[1], [0], [0], [1], [0, 0, 1, 1], [], []>, transpose_lhs_hint = false} : vector<128x10000xbf16>, vector<10000x128xbf16>, vector<128x128xf32> -> vector<128x128xf32>
    %dot_general3A_19 = arith.constant dense<0.000000e+00> : vector<128x128xf32>
    %dot_general3A_20 = tpu.matmul %convert_element_type3A_4, %convert_element_type3A_17, %dot_general3A_19 {dimension_numbers = #tpu.dot_dimension_numbers<[1], [0], [0], [1], [0, 0, 1, 1], [], []>, transpose_lhs_hint = false} : vector<128x10000xbf16>, vector<10000x128xbf16>, vector<128x128xf32> -> vector<128x128xf32>
    %add3A = arith.addf %dot_general3A_18, %dot_general3A_20 : vector<128x128xf32>
    %div3A = vector.broadcast %max3A_14 : vector<128x1xf32> to vector<128x128xf32>
    %div3A_21 = arith.divf %add3A, %div3A : vector<128x128xf32>
    %mul3A = arith.mulf %get3A_7, %get3A_7 : vector<10000x128xf32>
    %convert_element_type3A_22 = arith.truncf %mul3A : vector<10000x128xf32> to vector<10000x128xbf16>
    %convert_element_type3A_23 = arith.extf %convert_element_type3A_22 : vector<10000x128xbf16> to vector<10000x128xf32>
    %sub3A_24 = arith.subf %mul3A, %convert_element_type3A_23 : vector<10000x128xf32>
    %convert_element_type3A_25 = arith.truncf %sub3A_24 : vector<10000x128xf32> to vector<10000x128xbf16>
    %dot_general3A_26 = arith.constant dense<0.000000e+00> : vector<128x128xf32>
    %dot_general3A_27 = tpu.matmul %convert_element_type3A_4, %convert_element_type3A_22, %dot_general3A_26 {dimension_numbers = #tpu.dot_dimension_numbers<[1], [0], [0], [1], [0, 0, 1, 1], [], []>, transpose_lhs_hint = false} : vector<128x10000xbf16>, vector<10000x128xbf16>, vector<128x128xf32> -> vector<128x128xf32>
    %dot_general3A_28 = arith.constant dense<0.000000e+00> : vector<128x128xf32>
    %dot_general3A_29 = tpu.matmul %convert_element_type3A_4, %convert_element_type3A_25, %dot_general3A_28 {dimension_numbers = #tpu.dot_dimension_numbers<[1], [0], [0], [1], [0, 0, 1, 1], [], []>, transpose_lhs_hint = false} : vector<128x10000xbf16>, vector<10000x128xbf16>, vector<128x128xf32> -> vector<128x128xf32>
    %add3A_30 = arith.addf %dot_general3A_27, %dot_general3A_29 : vector<128x128xf32>
    %div3A_31 = vector.broadcast %max3A_14 : vector<128x1xf32> to vector<128x128xf32>
    %div3A_32 = arith.divf %add3A_30, %div3A_31 : vector<128x128xf32>
    %mul3A_33 = arith.mulf %div3A_21, %div3A_21 : vector<128x128xf32>
    %sub3A_34 = arith.constant 2.000000e+00 : f32
    %sub3A_35 = vector.broadcast %sub3A_34 : f32 to vector<1x128xf32>
    %sub3A_36 = arith.subf %sub3A_35, %get3A_10 : vector<1x128xf32>
    %mul3A_37 = arith.mulf %get3A_10, %sub3A_36 : vector<1x128xf32>
    %mul3A_38 = vector.broadcast %mul3A_37 : vector<1x128xf32> to vector<128x128xf32>
    %mul3A_39 = arith.mulf %mul3A_33, %mul3A_38 : vector<128x128xf32>
    %sub3A_40 = arith.subf %div3A_32, %mul3A_39 : vector<128x128xf32>
    %add3A_41 = arith.constant 9.99999974E-6 : f32
    %add3A_42 = vector.broadcast %add3A_41 : f32 to vector<128x128xf32>
    %add3A_43 = arith.addf %sub3A_40, %add3A_42 : vector<128x128xf32>
    %sqrt3A = math.sqrt %add3A_43 : vector<128x128xf32>
    %convert_element_type3A_44 = arith.truncf %div3A_21 : vector<128x128xf32> to vector<128x128xbf16>
    %convert_element_type3A_45 = arith.extf %convert_element_type3A_44 : vector<128x128xbf16> to vector<128x128xf32>
    %sub3A_46 = arith.subf %div3A_21, %convert_element_type3A_45 : vector<128x128xf32>
    %convert_element_type3A_47 = arith.truncf %sub3A_46 : vector<128x128xf32> to vector<128x128xbf16>
    %dot_general3A_48 = arith.constant dense<0.000000e+00> : vector<10000x128xf32>
    %dot_general3A_49 = tpu.matmul %convert_element_type3A_4, %convert_element_type3A_44, %dot_general3A_48 {dimension_numbers = #tpu.dot_dimension_numbers<[0], [0], [1], [1], [0, 1, 1, 1], [], []>, transpose_lhs_hint = false} : vector<128x10000xbf16>, vector<128x128xbf16>, vector<10000x128xf32> -> vector<10000x128xf32>
    %dot_general3A_50 = arith.constant dense<0.000000e+00> : vector<10000x128xf32>
    %dot_general3A_51 = tpu.matmul %convert_element_type3A_4, %convert_element_type3A_47, %dot_general3A_50 {dimension_numbers = #tpu.dot_dimension_numbers<[0], [0], [1], [1], [0, 1, 1, 1], [], []>, transpose_lhs_hint = false} : vector<128x10000xbf16>, vector<128x128xbf16>, vector<10000x128xf32> -> vector<10000x128xf32>
    %add3A_52 = arith.addf %dot_general3A_49, %dot_general3A_51 : vector<10000x128xf32>
    %convert_element_type3A_53 = arith.truncf %sqrt3A : vector<128x128xf32> to vector<128x128xbf16>
    %convert_element_type3A_54 = arith.extf %convert_element_type3A_53 : vector<128x128xbf16> to vector<128x128xf32>
    %sub3A_55 = arith.subf %sqrt3A, %convert_element_type3A_54 : vector<128x128xf32>
    %convert_element_type3A_56 = arith.truncf %sub3A_55 : vector<128x128xf32> to vector<128x128xbf16>
    %dot_general3A_57 = arith.constant dense<0.000000e+00> : vector<10000x128xf32>
    %dot_general3A_58 = tpu.matmul %convert_element_type3A_4, %convert_element_type3A_53, %dot_general3A_57 {dimension_numbers = #tpu.dot_dimension_numbers<[0], [0], [1], [1], [0, 1, 1, 1], [], []>, transpose_lhs_hint = false} : vector<128x10000xbf16>, vector<128x128xbf16>, vector<10000x128xf32> -> vector<10000x128xf32>
    %dot_general3A_59 = arith.constant dense<0.000000e+00> : vector<10000x128xf32>
    %dot_general3A_60 = tpu.matmul %convert_element_type3A_4, %convert_element_type3A_56, %dot_general3A_59 {dimension_numbers = #tpu.dot_dimension_numbers<[0], [0], [1], [1], [0, 1, 1, 1], [], []>, transpose_lhs_hint = false} : vector<128x10000xbf16>, vector<128x128xbf16>, vector<10000x128xf32> -> vector<10000x128xf32>
    %add3A_61 = arith.addf %dot_general3A_58, %dot_general3A_60 : vector<10000x128xf32>
    %get3A_62 = arith.constant 0 : index
    %get3A_63 = arith.constant 0 : index
    %get3A_64 = vector.load %arg2[%get3A_62, %get3A_63] : memref<1x128xf32, #tpu.memory_space<vmem>>, vector<1x128xf32>
    %get3A_65 = arith.constant 0 : index
    %get3A_66 = arith.constant 0 : index
    %get3A_67 = vector.load %arg0[%get3A_65, %get3A_66] : memref<10000x128xf32, #tpu.memory_space<vmem>>, vector<10000x128xf32>
    %get3A_68 = arith.constant 0 : index
    %get3A_69 = arith.constant 0 : index
    %get3A_70 = vector.load %arg4[%get3A_68, %get3A_69] : memref<1x128xf32, #tpu.memory_space<vmem>>, vector<1x128xf32>
    %mul3A_71 = vector.broadcast %get3A_70 : vector<1x128xf32> to vector<10000x128xf32>
    %mul3A_72 = arith.mulf %add3A_52, %mul3A_71 : vector<10000x128xf32>
    %sub3A_73 = arith.subf %get3A_67, %mul3A_72 : vector<10000x128xf32>
    %mul3A_74 = vector.broadcast %get3A_64 : vector<1x128xf32> to vector<10000x128xf32>
    %mul3A_75 = arith.mulf %mul3A_74, %sub3A_73 : vector<10000x128xf32>
    %div3A_76 = arith.divf %mul3A_75, %add3A_61 : vector<10000x128xf32>
    %get3A_77 = arith.constant 0 : index
    %get3A_78 = arith.constant 0 : index
    %get3A_79 = vector.load %arg3[%get3A_77, %get3A_78] : memref<1x128xf32, #tpu.memory_space<vmem>>, vector<1x128xf32>
    %add3A_80 = vector.broadcast %get3A_79 : vector<1x128xf32> to vector<10000x128xf32>
    %add3A_81 = arith.addf %div3A_76, %add3A_80 : vector<10000x128xf32>
    %get3A_82 = arith.constant 0 : index
    %get3A_83 = arith.constant 0 : index
    %get3A_84 = vector.load %arg5[%get3A_82, %get3A_83] : memref<128x64xf32, #tpu.memory_space<vmem>>, vector<128x64xf32>
    %convert_element_type3A_85 = arith.truncf %add3A_81 : vector<10000x128xf32> to vector<10000x128xbf16>
    %convert_element_type3A_86 = arith.extf %convert_element_type3A_85 : vector<10000x128xbf16> to vector<10000x128xf32>
    %sub3A_87 = arith.subf %add3A_81, %convert_element_type3A_86 : vector<10000x128xf32>
    %convert_element_type3A_88 = arith.truncf %sub3A_87 : vector<10000x128xf32> to vector<10000x128xbf16>
    %convert_element_type3A_89 = arith.truncf %get3A_84 : vector<128x64xf32> to vector<128x64xbf16>
    %convert_element_type3A_90 = arith.extf %convert_element_type3A_89 : vector<128x64xbf16> to vector<128x64xf32>
    %sub3A_91 = arith.subf %get3A_84, %convert_element_type3A_90 : vector<128x64xf32>
    %convert_element_type3A_92 = arith.truncf %sub3A_91 : vector<128x64xf32> to vector<128x64xbf16>
    %dot_general3A_93 = arith.constant dense<0.000000e+00> : vector<10000x64xf32>
    %dot_general3A_94 = tpu.matmul %convert_element_type3A_85, %convert_element_type3A_89, %dot_general3A_93 {dimension_numbers = #tpu.dot_dimension_numbers<[1], [0], [0], [1], [0, 0, 1, 1], [], []>, transpose_lhs_hint = false} : vector<10000x128xbf16>, vector<128x64xbf16>, vector<10000x64xf32> -> vector<10000x64xf32>
    %dot_general3A_95 = arith.constant dense<0.000000e+00> : vector<10000x64xf32>
    %dot_general3A_96 = tpu.matmul %convert_element_type3A_85, %convert_element_type3A_92, %dot_general3A_95 {dimension_numbers = #tpu.dot_dimension_numbers<[1], [0], [0], [1], [0, 0, 1, 1], [], []>, transpose_lhs_hint = false} : vector<10000x128xbf16>, vector<128x64xbf16>, vector<10000x64xf32> -> vector<10000x64xf32>
    %dot_general3A_97 = arith.constant dense<0.000000e+00> : vector<10000x64xf32>
    %dot_general3A_98 = tpu.matmul %convert_element_type3A_88, %convert_element_type3A_89, %dot_general3A_97 {dimension_numbers = #tpu.dot_dimension_numbers<[1], [0], [0], [1], [0, 0, 1, 1], [], []>, transpose_lhs_hint = false} : vector<10000x128xbf16>, vector<128x64xbf16>, vector<10000x64xf32> -> vector<10000x64xf32>
    %add3A_99 = arith.addf %dot_general3A_96, %dot_general3A_98 : vector<10000x64xf32>
    %add3A_100 = arith.addf %dot_general3A_94, %add3A_99 : vector<10000x64xf32>
    %swap3A = arith.constant 0 : index
    %swap3A_101 = arith.constant 0 : index
    %swap3A_102 = vector.load %arg8[%swap3A, %swap3A_101] : memref<10112x64xf32, #tpu.memory_space<vmem>>, vector<10000x64xf32>
    tpu.vector_store %arg8[%swap3A, %swap3A_101], %add3A_100 {strides = array<i32>} : memref<10112x64xf32, #tpu.memory_space<vmem>>, vector<10000x64xf32>,
    %get3A_103 = arith.constant 0 : index
    %get3A_104 = arith.constant 0 : index
    %get3A_105 = vector.load %arg7[%get3A_103, %get3A_104] : memref<128x64xf32, #tpu.memory_space<vmem>>, vector<128x64xf32>
    %convert_element_type3A_106 = arith.truncf %add3A_81 : vector<10000x128xf32> to vector<10000x128xbf16>
    %convert_element_type3A_107 = arith.extf %convert_element_type3A_106 : vector<10000x128xbf16> to vector<10000x128xf32>
    %sub3A_108 = arith.subf %add3A_81, %convert_element_type3A_107 : vector<10000x128xf32>
    %convert_element_type3A_109 = arith.truncf %sub3A_108 : vector<10000x128xf32> to vector<10000x128xbf16>
    %convert_element_type3A_110 = arith.truncf %get3A_105 : vector<128x64xf32> to vector<128x64xbf16>
    %convert_element_type3A_111 = arith.extf %convert_element_type3A_110 : vector<128x64xbf16> to vector<128x64xf32>
    %sub3A_112 = arith.subf %get3A_105, %convert_element_type3A_111 : vector<128x64xf32>
    %convert_element_type3A_113 = arith.truncf %sub3A_112 : vector<128x64xf32> to vector<128x64xbf16>
    %dot_general3A_114 = arith.constant dense<0.000000e+00> : vector<10000x64xf32>
    %dot_general3A_115 = tpu.matmul %convert_element_type3A_106, %convert_element_type3A_110, %dot_general3A_114 {dimension_numbers = #tpu.dot_dimension_numbers<[1], [0], [0], [1], [0, 0, 1, 1], [], []>, transpose_lhs_hint = false} : vector<10000x128xbf16>, vector<128x64xbf16>, vector<10000x64xf32> -> vector<10000x64xf32>
    %dot_general3A_116 = arith.constant dense<0.000000e+00> : vector<10000x64xf32>
    %dot_general3A_117 = tpu.matmul %convert_element_type3A_106, %convert_element_type3A_113, %dot_general3A_116 {dimension_numbers = #tpu.dot_dimension_numbers<[1], [0], [0], [1], [0, 0, 1, 1], [], []>, transpose_lhs_hint = false} : vector<10000x128xbf16>, vector<128x64xbf16>, vector<10000x64xf32> -> vector<10000x64xf32>
    %dot_general3A_118 = arith.constant dense<0.000000e+00> : vector<10000x64xf32>
    %dot_general3A_119 = tpu.matmul %convert_element_type3A_109, %convert_element_type3A_110, %dot_general3A_118 {dimension_numbers = #tpu.dot_dimension_numbers<[1], [0], [0], [1], [0, 0, 1, 1], [], []>, transpose_lhs_hint = false} : vector<10000x128xbf16>, vector<128x64xbf16>, vector<10000x64xf32> -> vector<10000x64xf32>
    %add3A_120 = arith.addf %dot_general3A_117, %dot_general3A_119 : vector<10000x64xf32>
    %add3A_121 = arith.addf %dot_general3A_115, %add3A_120 : vector<10000x64xf32>
    %get3A_122 = arith.constant 0 : index
    %get3A_123 = arith.constant 0 : index
    %get3A_124 = vector.load %arg6[%get3A_122, %get3A_123] : memref<1x64xf32, #tpu.memory_space<vmem>>, vector<1x64xf32>
    %add3A_125 = vector.broadcast %get3A_124 : vector<1x64xf32> to vector<10000x64xf32>
    %add3A_126 = arith.addf %add3A_121, %add3A_125 : vector<10000x64xf32>
    %swap3A_127 = arith.constant 0 : index
    %swap3A_128 = arith.constant 0 : index
    %swap3A_129 = vector.load %arg9[%swap3A_127, %swap3A_128] : memref<10000x64xf32, #tpu.memory_space<vmem>>, vector<10000x64xf32>
    tpu.vector_store %arg9[%swap3A_127, %swap3A_128], %add3A_126 {strides = array<i32>} : memref<10000x64xf32, #tpu.memory_space<vmem>>, vector<10000x64xf32>,
    return
  }
}

module attributes {stable_mosaic.version = 14 : i64} {
  func.func @body(%arg0: memref<2x10112x64xf32, #tpu.memory_space<vmem>>, %arg1: memref<10000x64xf32, #tpu.memory_space<vmem>>, %arg2: memref<1x10000xi32, #tpu.memory_space<vmem>>, %arg3: memref<1x64xf32, #tpu.memory_space<vmem>>, %arg4: memref<1x64xf32, #tpu.memory_space<vmem>>, %arg5: memref<1x64xf32, #tpu.memory_space<vmem>>, %arg6: memref<64x64xf32, #tpu.memory_space<vmem>>, %arg7: memref<1x64xf32, #tpu.memory_space<vmem>>, %arg8: memref<64x64xf32, #tpu.memory_space<vmem>>, %arg9: memref<10112x64xf32, #tpu.memory_space<vmem>>, %arg10: memref<10000x64xf32, #tpu.memory_space<vmem>>) attributes {dimension_semantics = [], scalar_prefetch = 0 : i64, scratch_operands = 0 : i64, tpu.core_type = #tpu.core_type<tc>} {
    %get3A = arith.constant 0 : index
    %get3A_0 = arith.constant 0 : index
    %get3A_1 = arith.constant 0 : index
    %get3A_2 = vector.load %arg0[%get3A, %get3A_0, %get3A_1] : memref<2x10112x64xf32, #tpu.memory_space<vmem>>, vector<1x10000x64xf32>
    %get3A_3 = vector.shape_cast %get3A_2 : vector<1x10000x64xf32> to vector<10000x64xf32>
    %get3A_4 = arith.constant 1 : index
    %get3A_5 = arith.constant 0 : index
    %get3A_6 = arith.constant 0 : index
    %get3A_7 = vector.load %arg0[%get3A_4, %get3A_5, %get3A_6] : memref<2x10112x64xf32, #tpu.memory_space<vmem>>, vector<1x10000x64xf32>
    %get3A_8 = vector.shape_cast %get3A_7 : vector<1x10000x64xf32> to vector<10000x64xf32>
    %add3A = arith.addf %get3A_3, %get3A_8 : vector<10000x64xf32>
    %get3A_9 = arith.constant 0 : index
    %get3A_10 = arith.constant 0 : index
    %get3A_11 = vector.load %arg1[%get3A_9, %get3A_10] : memref<10000x64xf32, #tpu.memory_space<vmem>>, vector<10000x64xf32>
    %add3A_12 = arith.addf %add3A, %get3A_11 : vector<10000x64xf32>
    %max3A = arith.constant 0.000000e+00 : f32
    %max3A_13 = vector.broadcast %max3A : f32 to vector<10000x64xf32>
    %max3A_14 = arith.maximumf %add3A_12, %max3A_13 : vector<10000x64xf32>
    %get3A_15 = arith.constant 0 : index
    %get3A_16 = arith.constant 0 : index
    %get3A_17 = vector.load %arg2[%get3A_15, %get3A_16] : memref<1x10000xi32, #tpu.memory_space<vmem>>, vector<1x10000xi32>
    %iota3A = tpu.iota {dimensions = array<i32: 0>} : vector<128x10000xi32>
    %eq3A = vector.broadcast %get3A_17 : vector<1x10000xi32> to vector<128x10000xi32>
    %eq3A_18 = arith.cmpi eq, %iota3A, %eq3A : vector<128x10000xi32>
    %convert_element_type3A = arith.extui %eq3A_18 : vector<128x10000xi1> to vector<128x10000xi32>
    %convert_element_type3A_19 = arith.sitofp %convert_element_type3A : vector<128x10000xi32> to vector<128x10000xf32>
    %convert_element_type3A_20 = arith.truncf %convert_element_type3A_19 : vector<128x10000xf32> to vector<128x10000xbf16>
    %get3A_21 = arith.constant 0 : index
    %get3A_22 = arith.constant 0 : index
    %get3A_23 = vector.load %arg5[%get3A_21, %get3A_22] : memref<1x64xf32, #tpu.memory_space<vmem>>, vector<1x64xf32>
    %convert_element_type3A_24 = arith.extf %convert_element_type3A_20 : vector<128x10000xbf16> to vector<128x10000xf32>
    %reduce_sum3A = arith.constant dense<0.000000e+00> : vector<128xf32>
    %reduce_sum3A_25 = vector.multi_reduction <add>, %convert_element_type3A_24, %reduce_sum3A [1] : vector<128x10000xf32> to vector<128xf32>
    %broadcast_in_dim3A = vector.shape_cast %reduce_sum3A_25 : vector<128xf32> to vector<128x1xf32>
    %max3A_26 = arith.constant 1.000000e+00 : f32
    %max3A_27 = vector.broadcast %max3A_26 : f32 to vector<128x1xf32>
    %max3A_28 = arith.maximumf %broadcast_in_dim3A, %max3A_27 : vector<128x1xf32>
    %convert_element_type3A_29 = arith.truncf %max3A_14 : vector<10000x64xf32> to vector<10000x64xbf16>
    %convert_element_type3A_30 = arith.extf %convert_element_type3A_29 : vector<10000x64xbf16> to vector<10000x64xf32>
    %sub3A = arith.subf %max3A_14, %convert_element_type3A_30 : vector<10000x64xf32>
    %convert_element_type3A_31 = arith.truncf %sub3A : vector<10000x64xf32> to vector<10000x64xbf16>
    %dot_general3A = arith.constant dense<0.000000e+00> : vector<128x64xf32>
    %dot_general3A_32 = tpu.matmul %convert_element_type3A_20, %convert_element_type3A_29, %dot_general3A {dimension_numbers = #tpu.dot_dimension_numbers<[1], [0], [0], [1], [0, 0, 1, 1], [], []>, transpose_lhs_hint = false} : vector<128x10000xbf16>, vector<10000x64xbf16>, vector<128x64xf32> -> vector<128x64xf32>
    %dot_general3A_33 = arith.constant dense<0.000000e+00> : vector<128x64xf32>
    %dot_general3A_34 = tpu.matmul %convert_element_type3A_20, %convert_element_type3A_31, %dot_general3A_33 {dimension_numbers = #tpu.dot_dimension_numbers<[1], [0], [0], [1], [0, 0, 1, 1], [], []>, transpose_lhs_hint = false} : vector<128x10000xbf16>, vector<10000x64xbf16>, vector<128x64xf32> -> vector<128x64xf32>
    %add3A_35 = arith.addf %dot_general3A_32, %dot_general3A_34 : vector<128x64xf32>
    %div3A = vector.broadcast %max3A_28 : vector<128x1xf32> to vector<128x64xf32>
    %div3A_36 = arith.divf %add3A_35, %div3A : vector<128x64xf32>
    %mul3A = arith.mulf %max3A_14, %max3A_14 : vector<10000x64xf32>
    %convert_element_type3A_37 = arith.truncf %mul3A : vector<10000x64xf32> to vector<10000x64xbf16>
    %convert_element_type3A_38 = arith.extf %convert_element_type3A_37 : vector<10000x64xbf16> to vector<10000x64xf32>
    %sub3A_39 = arith.subf %mul3A, %convert_element_type3A_38 : vector<10000x64xf32>
    %convert_element_type3A_40 = arith.truncf %sub3A_39 : vector<10000x64xf32> to vector<10000x64xbf16>
    %dot_general3A_41 = arith.constant dense<0.000000e+00> : vector<128x64xf32>
    %dot_general3A_42 = tpu.matmul %convert_element_type3A_20, %convert_element_type3A_37, %dot_general3A_41 {dimension_numbers = #tpu.dot_dimension_numbers<[1], [0], [0], [1], [0, 0, 1, 1], [], []>, transpose_lhs_hint = false} : vector<128x10000xbf16>, vector<10000x64xbf16>, vector<128x64xf32> -> vector<128x64xf32>
    %dot_general3A_43 = arith.constant dense<0.000000e+00> : vector<128x64xf32>
    %dot_general3A_44 = tpu.matmul %convert_element_type3A_20, %convert_element_type3A_40, %dot_general3A_43 {dimension_numbers = #tpu.dot_dimension_numbers<[1], [0], [0], [1], [0, 0, 1, 1], [], []>, transpose_lhs_hint = false} : vector<128x10000xbf16>, vector<10000x64xbf16>, vector<128x64xf32> -> vector<128x64xf32>
    %add3A_45 = arith.addf %dot_general3A_42, %dot_general3A_44 : vector<128x64xf32>
    %div3A_46 = vector.broadcast %max3A_28 : vector<128x1xf32> to vector<128x64xf32>
    %div3A_47 = arith.divf %add3A_45, %div3A_46 : vector<128x64xf32>
    %mul3A_48 = arith.mulf %div3A_36, %div3A_36 : vector<128x64xf32>
    %sub3A_49 = arith.constant 2.000000e+00 : f32
    %sub3A_50 = vector.broadcast %sub3A_49 : f32 to vector<1x64xf32>
    %sub3A_51 = arith.subf %sub3A_50, %get3A_23 : vector<1x64xf32>
    %mul3A_52 = arith.mulf %get3A_23, %sub3A_51 : vector<1x64xf32>
    %mul3A_53 = vector.broadcast %mul3A_52 : vector<1x64xf32> to vector<128x64xf32>
    %mul3A_54 = arith.mulf %mul3A_48, %mul3A_53 : vector<128x64xf32>
    %sub3A_55 = arith.subf %div3A_47, %mul3A_54 : vector<128x64xf32>
    %add3A_56 = arith.constant 9.99999974E-6 : f32
    %add3A_57 = vector.broadcast %add3A_56 : f32 to vector<128x64xf32>
    %add3A_58 = arith.addf %sub3A_55, %add3A_57 : vector<128x64xf32>
    %sqrt3A = math.sqrt %add3A_58 : vector<128x64xf32>
    %convert_element_type3A_59 = arith.truncf %div3A_36 : vector<128x64xf32> to vector<128x64xbf16>
    %convert_element_type3A_60 = arith.extf %convert_element_type3A_59 : vector<128x64xbf16> to vector<128x64xf32>
    %sub3A_61 = arith.subf %div3A_36, %convert_element_type3A_60 : vector<128x64xf32>
    %convert_element_type3A_62 = arith.truncf %sub3A_61 : vector<128x64xf32> to vector<128x64xbf16>
    %dot_general3A_63 = arith.constant dense<0.000000e+00> : vector<10000x64xf32>
    %dot_general3A_64 = tpu.matmul %convert_element_type3A_20, %convert_element_type3A_59, %dot_general3A_63 {dimension_numbers = #tpu.dot_dimension_numbers<[0], [0], [1], [1], [0, 1, 1, 1], [], []>, transpose_lhs_hint = false} : vector<128x10000xbf16>, vector<128x64xbf16>, vector<10000x64xf32> -> vector<10000x64xf32>
    %dot_general3A_65 = arith.constant dense<0.000000e+00> : vector<10000x64xf32>
    %dot_general3A_66 = tpu.matmul %convert_element_type3A_20, %convert_element_type3A_62, %dot_general3A_65 {dimension_numbers = #tpu.dot_dimension_numbers<[0], [0], [1], [1], [0, 1, 1, 1], [], []>, transpose_lhs_hint = false} : vector<128x10000xbf16>, vector<128x64xbf16>, vector<10000x64xf32> -> vector<10000x64xf32>
    %add3A_67 = arith.addf %dot_general3A_64, %dot_general3A_66 : vector<10000x64xf32>
    %convert_element_type3A_68 = arith.truncf %sqrt3A : vector<128x64xf32> to vector<128x64xbf16>
    %convert_element_type3A_69 = arith.extf %convert_element_type3A_68 : vector<128x64xbf16> to vector<128x64xf32>
    %sub3A_70 = arith.subf %sqrt3A, %convert_element_type3A_69 : vector<128x64xf32>
    %convert_element_type3A_71 = arith.truncf %sub3A_70 : vector<128x64xf32> to vector<128x64xbf16>
    %dot_general3A_72 = arith.constant dense<0.000000e+00> : vector<10000x64xf32>
    %dot_general3A_73 = tpu.matmul %convert_element_type3A_20, %convert_element_type3A_68, %dot_general3A_72 {dimension_numbers = #tpu.dot_dimension_numbers<[0], [0], [1], [1], [0, 1, 1, 1], [], []>, transpose_lhs_hint = false} : vector<128x10000xbf16>, vector<128x64xbf16>, vector<10000x64xf32> -> vector<10000x64xf32>
    %dot_general3A_74 = arith.constant dense<0.000000e+00> : vector<10000x64xf32>
    %dot_general3A_75 = tpu.matmul %convert_element_type3A_20, %convert_element_type3A_71, %dot_general3A_74 {dimension_numbers = #tpu.dot_dimension_numbers<[0], [0], [1], [1], [0, 1, 1, 1], [], []>, transpose_lhs_hint = false} : vector<128x10000xbf16>, vector<128x64xbf16>, vector<10000x64xf32> -> vector<10000x64xf32>
    %add3A_76 = arith.addf %dot_general3A_73, %dot_general3A_75 : vector<10000x64xf32>
    %get3A_77 = arith.constant 0 : index
    %get3A_78 = arith.constant 0 : index
    %get3A_79 = vector.load %arg3[%get3A_77, %get3A_78] : memref<1x64xf32, #tpu.memory_space<vmem>>, vector<1x64xf32>
    %get3A_80 = arith.constant 0 : index
    %get3A_81 = arith.constant 0 : index
    %get3A_82 = vector.load %arg5[%get3A_80, %get3A_81] : memref<1x64xf32, #tpu.memory_space<vmem>>, vector<1x64xf32>
    %mul3A_83 = vector.broadcast %get3A_82 : vector<1x64xf32> to vector<10000x64xf32>
    %mul3A_84 = arith.mulf %add3A_67, %mul3A_83 : vector<10000x64xf32>
    %sub3A_85 = arith.subf %max3A_14, %mul3A_84 : vector<10000x64xf32>
    %mul3A_86 = vector.broadcast %get3A_79 : vector<1x64xf32> to vector<10000x64xf32>
    %mul3A_87 = arith.mulf %mul3A_86, %sub3A_85 : vector<10000x64xf32>
    %div3A_88 = arith.divf %mul3A_87, %add3A_76 : vector<10000x64xf32>
    %get3A_89 = arith.constant 0 : index
    %get3A_90 = arith.constant 0 : index
    %get3A_91 = vector.load %arg4[%get3A_89, %get3A_90] : memref<1x64xf32, #tpu.memory_space<vmem>>, vector<1x64xf32>
    %add3A_92 = vector.broadcast %get3A_91 : vector<1x64xf32> to vector<10000x64xf32>
    %add3A_93 = arith.addf %div3A_88, %add3A_92 : vector<10000x64xf32>
    %get3A_94 = arith.constant 0 : index
    %get3A_95 = arith.constant 0 : index
    %get3A_96 = vector.load %arg6[%get3A_94, %get3A_95] : memref<64x64xf32, #tpu.memory_space<vmem>>, vector<64x64xf32>
    %convert_element_type3A_97 = arith.truncf %add3A_93 : vector<10000x64xf32> to vector<10000x64xbf16>
    %convert_element_type3A_98 = arith.extf %convert_element_type3A_97 : vector<10000x64xbf16> to vector<10000x64xf32>
    %sub3A_99 = arith.subf %add3A_93, %convert_element_type3A_98 : vector<10000x64xf32>
    %convert_element_type3A_100 = arith.truncf %sub3A_99 : vector<10000x64xf32> to vector<10000x64xbf16>
    %convert_element_type3A_101 = arith.truncf %get3A_96 : vector<64x64xf32> to vector<64x64xbf16>
    %convert_element_type3A_102 = arith.extf %convert_element_type3A_101 : vector<64x64xbf16> to vector<64x64xf32>
    %sub3A_103 = arith.subf %get3A_96, %convert_element_type3A_102 : vector<64x64xf32>
    %convert_element_type3A_104 = arith.truncf %sub3A_103 : vector<64x64xf32> to vector<64x64xbf16>
    %dot_general3A_105 = arith.constant dense<0.000000e+00> : vector<10000x64xf32>
    %dot_general3A_106 = tpu.matmul %convert_element_type3A_97, %convert_element_type3A_101, %dot_general3A_105 {dimension_numbers = #tpu.dot_dimension_numbers<[1], [0], [0], [1], [0, 0, 1, 1], [], []>, transpose_lhs_hint = false} : vector<10000x64xbf16>, vector<64x64xbf16>, vector<10000x64xf32> -> vector<10000x64xf32>
    %dot_general3A_107 = arith.constant dense<0.000000e+00> : vector<10000x64xf32>
    %dot_general3A_108 = tpu.matmul %convert_element_type3A_97, %convert_element_type3A_104, %dot_general3A_107 {dimension_numbers = #tpu.dot_dimension_numbers<[1], [0], [0], [1], [0, 0, 1, 1], [], []>, transpose_lhs_hint = false} : vector<10000x64xbf16>, vector<64x64xbf16>, vector<10000x64xf32> -> vector<10000x64xf32>
    %dot_general3A_109 = arith.constant dense<0.000000e+00> : vector<10000x64xf32>
    %dot_general3A_110 = tpu.matmul %convert_element_type3A_100, %convert_element_type3A_101, %dot_general3A_109 {dimension_numbers = #tpu.dot_dimension_numbers<[1], [0], [0], [1], [0, 0, 1, 1], [], []>, transpose_lhs_hint = false} : vector<10000x64xbf16>, vector<64x64xbf16>, vector<10000x64xf32> -> vector<10000x64xf32>
    %add3A_111 = arith.addf %dot_general3A_108, %dot_general3A_110 : vector<10000x64xf32>
    %add3A_112 = arith.addf %dot_general3A_106, %add3A_111 : vector<10000x64xf32>
    %swap3A = arith.constant 0 : index
    %swap3A_113 = arith.constant 0 : index
    %swap3A_114 = vector.load %arg9[%swap3A, %swap3A_113] : memref<10112x64xf32, #tpu.memory_space<vmem>>, vector<10000x64xf32>
    tpu.vector_store %arg9[%swap3A, %swap3A_113], %add3A_112 {strides = array<i32>} : memref<10112x64xf32, #tpu.memory_space<vmem>>, vector<10000x64xf32>,
    %get3A_115 = arith.constant 0 : index
    %get3A_116 = arith.constant 0 : index
    %get3A_117 = vector.load %arg8[%get3A_115, %get3A_116] : memref<64x64xf32, #tpu.memory_space<vmem>>, vector<64x64xf32>
    %convert_element_type3A_118 = arith.truncf %add3A_93 : vector<10000x64xf32> to vector<10000x64xbf16>
    %convert_element_type3A_119 = arith.extf %convert_element_type3A_118 : vector<10000x64xbf16> to vector<10000x64xf32>
    %sub3A_120 = arith.subf %add3A_93, %convert_element_type3A_119 : vector<10000x64xf32>
    %convert_element_type3A_121 = arith.truncf %sub3A_120 : vector<10000x64xf32> to vector<10000x64xbf16>
    %convert_element_type3A_122 = arith.truncf %get3A_117 : vector<64x64xf32> to vector<64x64xbf16>
    %convert_element_type3A_123 = arith.extf %convert_element_type3A_122 : vector<64x64xbf16> to vector<64x64xf32>
    %sub3A_124 = arith.subf %get3A_117, %convert_element_type3A_123 : vector<64x64xf32>
    %convert_element_type3A_125 = arith.truncf %sub3A_124 : vector<64x64xf32> to vector<64x64xbf16>
    %dot_general3A_126 = arith.constant dense<0.000000e+00> : vector<10000x64xf32>
    %dot_general3A_127 = tpu.matmul %convert_element_type3A_118, %convert_element_type3A_122, %dot_general3A_126 {dimension_numbers = #tpu.dot_dimension_numbers<[1], [0], [0], [1], [0, 0, 1, 1], [], []>, transpose_lhs_hint = false} : vector<10000x64xbf16>, vector<64x64xbf16>, vector<10000x64xf32> -> vector<10000x64xf32>
    %dot_general3A_128 = arith.constant dense<0.000000e+00> : vector<10000x64xf32>
    %dot_general3A_129 = tpu.matmul %convert_element_type3A_118, %convert_element_type3A_125, %dot_general3A_128 {dimension_numbers = #tpu.dot_dimension_numbers<[1], [0], [0], [1], [0, 0, 1, 1], [], []>, transpose_lhs_hint = false} : vector<10000x64xbf16>, vector<64x64xbf16>, vector<10000x64xf32> -> vector<10000x64xf32>
    %dot_general3A_130 = arith.constant dense<0.000000e+00> : vector<10000x64xf32>
    %dot_general3A_131 = tpu.matmul %convert_element_type3A_121, %convert_element_type3A_122, %dot_general3A_130 {dimension_numbers = #tpu.dot_dimension_numbers<[1], [0], [0], [1], [0, 0, 1, 1], [], []>, transpose_lhs_hint = false} : vector<10000x64xbf16>, vector<64x64xbf16>, vector<10000x64xf32> -> vector<10000x64xf32>
    %add3A_132 = arith.addf %dot_general3A_129, %dot_general3A_131 : vector<10000x64xf32>
    %add3A_133 = arith.addf %dot_general3A_127, %add3A_132 : vector<10000x64xf32>
    %get3A_134 = arith.constant 0 : index
    %get3A_135 = arith.constant 0 : index
    %get3A_136 = vector.load %arg7[%get3A_134, %get3A_135] : memref<1x64xf32, #tpu.memory_space<vmem>>, vector<1x64xf32>
    %add3A_137 = vector.broadcast %get3A_136 : vector<1x64xf32> to vector<10000x64xf32>
    %add3A_138 = arith.addf %add3A_133, %add3A_137 : vector<10000x64xf32>
    %swap3A_139 = arith.constant 0 : index
    %swap3A_140 = arith.constant 0 : index
    %swap3A_141 = vector.load %arg10[%swap3A_139, %swap3A_140] : memref<10000x64xf32, #tpu.memory_space<vmem>>, vector<10000x64xf32>
    tpu.vector_store %arg10[%swap3A_139, %swap3A_140], %add3A_138 {strides = array<i32>} : memref<10000x64xf32, #tpu.memory_space<vmem>>, vector<10000x64xf32>,
    return
  }
}

module attributes {stable_mosaic.version = 14 : i64} {
  func.func @body(%arg0: memref<2x10112x64xf32, #tpu.memory_space<vmem>>, %arg1: memref<10000x64xf32, #tpu.memory_space<vmem>>, %arg2: memref<1x10000xi32, #tpu.memory_space<vmem>>, %arg3: memref<64x64xf32, #tpu.memory_space<vmem>>, %arg4: memref<64xf32, #tpu.memory_space<vmem>>, %arg5: memref<64x10xf32, #tpu.memory_space<vmem>>, %arg6: memref<10xf32, #tpu.memory_space<vmem>>, %arg7: memref<128x10xf32, #tpu.memory_space<vmem>>) attributes {dimension_semantics = [], scalar_prefetch = 0 : i64, scratch_operands = 0 : i64, tpu.core_type = #tpu.core_type<tc>} {
    %get3A = arith.constant 0 : index
    %get3A_0 = arith.constant 0 : index
    %get3A_1 = arith.constant 0 : index
    %get3A_2 = vector.load %arg0[%get3A, %get3A_0, %get3A_1] : memref<2x10112x64xf32, #tpu.memory_space<vmem>>, vector<1x10000x64xf32>
    %get3A_3 = vector.shape_cast %get3A_2 : vector<1x10000x64xf32> to vector<10000x64xf32>
    %get3A_4 = arith.constant 1 : index
    %get3A_5 = arith.constant 0 : index
    %get3A_6 = arith.constant 0 : index
    %get3A_7 = vector.load %arg0[%get3A_4, %get3A_5, %get3A_6] : memref<2x10112x64xf32, #tpu.memory_space<vmem>>, vector<1x10000x64xf32>
    %get3A_8 = vector.shape_cast %get3A_7 : vector<1x10000x64xf32> to vector<10000x64xf32>
    %add3A = arith.addf %get3A_3, %get3A_8 : vector<10000x64xf32>
    %get3A_9 = arith.constant 0 : index
    %get3A_10 = arith.constant 0 : index
    %get3A_11 = vector.load %arg1[%get3A_9, %get3A_10] : memref<10000x64xf32, #tpu.memory_space<vmem>>, vector<10000x64xf32>
    %add3A_12 = arith.addf %add3A, %get3A_11 : vector<10000x64xf32>
    %max3A = arith.constant 0.000000e+00 : f32
    %max3A_13 = vector.broadcast %max3A : f32 to vector<10000x64xf32>
    %max3A_14 = arith.maximumf %add3A_12, %max3A_13 : vector<10000x64xf32>
    %get3A_15 = arith.constant 0 : index
    %get3A_16 = arith.constant 0 : index
    %get3A_17 = vector.load %arg2[%get3A_15, %get3A_16] : memref<1x10000xi32, #tpu.memory_space<vmem>>, vector<1x10000xi32>
    %iota3A = tpu.iota {dimensions = array<i32: 0>} : vector<128x10000xi32>
    %eq3A = vector.broadcast %get3A_17 : vector<1x10000xi32> to vector<128x10000xi32>
    %eq3A_18 = arith.cmpi eq, %iota3A, %eq3A : vector<128x10000xi32>
    %convert_element_type3A = arith.extui %eq3A_18 : vector<128x10000xi1> to vector<128x10000xi32>
    %convert_element_type3A_19 = arith.sitofp %convert_element_type3A : vector<128x10000xi32> to vector<128x10000xf32>
    %convert_element_type3A_20 = arith.truncf %convert_element_type3A_19 : vector<128x10000xf32> to vector<128x10000xbf16>
    %convert_element_type3A_21 = arith.extf %convert_element_type3A_20 : vector<128x10000xbf16> to vector<128x10000xf32>
    %reduce_sum3A = arith.constant dense<0.000000e+00> : vector<128xf32>
    %reduce_sum3A_22 = vector.multi_reduction <add>, %convert_element_type3A_21, %reduce_sum3A [1] : vector<128x10000xf32> to vector<128xf32>
    %broadcast_in_dim3A = vector.shape_cast %reduce_sum3A_22 : vector<128xf32> to vector<128x1xf32>
    %max3A_23 = arith.constant 1.000000e+00 : f32
    %max3A_24 = vector.broadcast %max3A_23 : f32 to vector<128x1xf32>
    %max3A_25 = arith.maximumf %broadcast_in_dim3A, %max3A_24 : vector<128x1xf32>
    %convert_element_type3A_26 = arith.truncf %max3A_14 : vector<10000x64xf32> to vector<10000x64xbf16>
    %convert_element_type3A_27 = arith.extf %convert_element_type3A_26 : vector<10000x64xbf16> to vector<10000x64xf32>
    %sub3A = arith.subf %max3A_14, %convert_element_type3A_27 : vector<10000x64xf32>
    %convert_element_type3A_28 = arith.truncf %sub3A : vector<10000x64xf32> to vector<10000x64xbf16>
    %dot_general3A = arith.constant dense<0.000000e+00> : vector<128x64xf32>
    %dot_general3A_29 = tpu.matmul %convert_element_type3A_20, %convert_element_type3A_26, %dot_general3A {dimension_numbers = #tpu.dot_dimension_numbers<[1], [0], [0], [1], [0, 0, 1, 1], [], []>, transpose_lhs_hint = false} : vector<128x10000xbf16>, vector<10000x64xbf16>, vector<128x64xf32> -> vector<128x64xf32>
    %dot_general3A_30 = arith.constant dense<0.000000e+00> : vector<128x64xf32>
    %dot_general3A_31 = tpu.matmul %convert_element_type3A_20, %convert_element_type3A_28, %dot_general3A_30 {dimension_numbers = #tpu.dot_dimension_numbers<[1], [0], [0], [1], [0, 0, 1, 1], [], []>, transpose_lhs_hint = false} : vector<128x10000xbf16>, vector<10000x64xbf16>, vector<128x64xf32> -> vector<128x64xf32>
    %add3A_32 = arith.addf %dot_general3A_29, %dot_general3A_31 : vector<128x64xf32>
    %div3A = vector.broadcast %max3A_25 : vector<128x1xf32> to vector<128x64xf32>
    %div3A_33 = arith.divf %add3A_32, %div3A : vector<128x64xf32>
    %get3A_34 = arith.constant 0 : index
    %get3A_35 = arith.constant 0 : index
    %get3A_36 = vector.load %arg3[%get3A_34, %get3A_35] : memref<64x64xf32, #tpu.memory_space<vmem>>, vector<64x64xf32>
    %dot_general3A_37 = arith.constant dense<0.000000e+00> : vector<128x64xf32>
    %dot_general3A_38 = tpu.matmul %div3A_33, %get3A_36, %dot_general3A_37 {dimension_numbers = #tpu.dot_dimension_numbers<[1], [0], [0], [1], [0, 0, 1, 1], [], []>, precision = #tpu.contract_precision<fp32>, transpose_lhs_hint = false} : vector<128x64xf32>, vector<64x64xf32>, vector<128x64xf32> -> vector<128x64xf32>
    %get3A_39 = arith.constant 0 : index
    %get3A_40 = vector.load %arg4[%get3A_39] : memref<64xf32, #tpu.memory_space<vmem>>, vector<64xf32>
    %broadcast_in_dim3A_41 = vector.shape_cast %get3A_40 : vector<64xf32> to vector<1x64xf32>
    %add3A_42 = vector.broadcast %broadcast_in_dim3A_41 : vector<1x64xf32> to vector<128x64xf32>
    %add3A_43 = arith.addf %dot_general3A_38, %add3A_42 : vector<128x64xf32>
    %max3A_44 = arith.constant 0.000000e+00 : f32
    %max3A_45 = vector.broadcast %max3A_44 : f32 to vector<128x64xf32>
    %max3A_46 = arith.maximumf %add3A_43, %max3A_45 : vector<128x64xf32>
    %get3A_47 = arith.constant 0 : index
    %get3A_48 = arith.constant 0 : index
    %get3A_49 = vector.load %arg5[%get3A_47, %get3A_48] : memref<64x10xf32, #tpu.memory_space<vmem>>, vector<64x10xf32>
    %dot_general3A_50 = arith.constant dense<0.000000e+00> : vector<128x10xf32>
    %dot_general3A_51 = tpu.matmul %max3A_46, %get3A_49, %dot_general3A_50 {dimension_numbers = #tpu.dot_dimension_numbers<[1], [0], [0], [1], [0, 0, 1, 1], [], []>, precision = #tpu.contract_precision<fp32>, transpose_lhs_hint = false} : vector<128x64xf32>, vector<64x10xf32>, vector<128x10xf32> -> vector<128x10xf32>
    %get3A_52 = arith.constant 0 : index
    %get3A_53 = vector.load %arg6[%get3A_52] : memref<10xf32, #tpu.memory_space<vmem>>, vector<10xf32>
    %broadcast_in_dim3A_54 = vector.shape_cast %get3A_53 : vector<10xf32> to vector<1x10xf32>
    %add3A_55 = vector.broadcast %broadcast_in_dim3A_54 : vector<1x10xf32> to vector<128x10xf32>
    %add3A_56 = arith.addf %dot_general3A_51, %add3A_55 : vector<128x10xf32>
    %reduce_max3A = arith.constant dense<0xFF800000> : vector<128xf32>
    %reduce_max3A_57 = vector.multi_reduction <maximumf>, %add3A_56, %reduce_max3A [1] : vector<128x10xf32> to vector<128xf32>
    %broadcast_in_dim3A_58 = vector.shape_cast %reduce_max3A_57 : vector<128xf32> to vector<128x1xf32>
    %sub3A_59 = vector.broadcast %broadcast_in_dim3A_58 : vector<128x1xf32> to vector<128x10xf32>
    %sub3A_60 = arith.subf %add3A_56, %sub3A_59 : vector<128x10xf32>
    %exp3A = math.exp %sub3A_60 : vector<128x10xf32>
    %reduce_sum3A_61 = arith.constant dense<0.000000e+00> : vector<128xf32>
    %reduce_sum3A_62 = vector.multi_reduction <add>, %exp3A, %reduce_sum3A_61 [1] : vector<128x10xf32> to vector<128xf32>
    %broadcast_in_dim3A_63 = vector.shape_cast %reduce_sum3A_62 : vector<128xf32> to vector<128x1xf32>
    %div3A_64 = vector.broadcast %broadcast_in_dim3A_63 : vector<128x1xf32> to vector<128x10xf32>
    %div3A_65 = arith.divf %exp3A, %div3A_64 : vector<128x10xf32>
    %swap3A = arith.constant 0 : index
    %swap3A_66 = arith.constant 0 : index
    %swap3A_67 = vector.load %arg7[%swap3A, %swap3A_66] : memref<128x10xf32, #tpu.memory_space<vmem>>, vector<128x10xf32>
    tpu.vector_store %arg7[%swap3A, %swap3A_66], %div3A_65 {strides = array<i32>} : memref<128x10xf32, #tpu.memory_space<vmem>>, vector<128x10xf32>,
    return
  }
}

</mosaic_0001>

<sc_bundles>
// kernel: kernel.12.cloned.1.call-start
scs
__scs_entry_jumppad:
0x0: {  	(pc) =	sbr.rel $0x88, $3  }
0x1: {  	(tag) =	ssettag $0x0;
	lr =	simm.s32 $0x1  }
0x2: {  	[smem:$0x3F88] =	sst lr;
	_ =	strace $0xD0000000  }
0x3: {  	_ = 	snop  }
0x4: {  	_ = 	snop  }
0x5: {  	_ = 	snop  }
0x6: {  	_ = 	snop  }
0x7: {  	_ = 	snop  }
__scs_overlays_trampoline_lowered:
0x8: {  	[smem:$0x3F97] =	sst s0  }
0x9: {  	[smem:$0x3F98] =	sst s1  }
0xa: {  	[smem:$0x3F99] =	sst s2  }
0xb: {  	[smem:$0x3F9A] =	sst s3  }
0xc: {  	[smem:$0x3F9B] =	sst s4  }
0xd: {  	[smem:$0x3F9C] =	sst s5  }
0xe: {  	[smem:$0x3F9D] =	sst s6  }
0xf: {  	[smem:$0x3F9E] =	sst s7  }
0x10: {  	[smem:$0x3F9F] =	sst s8  }
0x11: {  	[smem:$0x3FA0] =	sst s9;
	s0 =	simm.s32 @!p0 $0x0  }
0x12: {  	s1 =	sld [smem:$0x3F86];
	s0 =	simm.s32 @p0 $0x1  }
0x13: {  	[smem:$0x3FA1] =	sst s0;
	s0 =	simm.s32 @!p1 $0x0  }
0x14: {  	s2 =	sld [smem:$0x3F85];
	s0 =	simm.s32 @p1 $0x1  }
0x15: {  	[smem:$0x3FA2] =	sst s0;
	s0 =	simm.s32 @!p2 $0x0  }
0x16: {  	s3 =	sld [smem:$0x3FDB];
	s0 =	simm.s32 @p2 $0x1  }
0x17: {  	s4 =	simm.s32 $0x1BF5;
	[smem:$0x3FA4] =	sst s0  }
0x18: {  	s0 =	sld [smem:$0x3F87];
	_ =	swait.ge [sflag:s4], $0x0  }
0x19: {  	s7 =	sld [smem:$0x3F88]  }
0x1a: {  	s8 =	sadd.s32 $0xFFFFE003, lr  }
0x1b: {  	s9 =	sadd.s32 $0xFFFFFEF7, lr;
	s5 =	simm.s32 $0xFFFFFFFF;
	p2 =	slt.u32 s8, $0xFFFFF086  }
0x1c: {  	p1 =	slt.u32 s9, $0xF7A;
	s5 =	simm.s32 @!p2 $0x0  }
0x1d: {  	s5 =	simm.s32 @p1 $0x1;
	p0 =	seq.s32 s7, s2  }
0x1e: {  	s7 =	smul.u32 @!p0 $0xF7A, s2;
	p2 =	seq.s32 @!p0 s5, $0x0  }
0x1f: {  	s9 =	smul.u32 $0xF7A, s1;
	s8 =	simm.s32 @!p0 $0x1BF5;
	p2 =	por !p2, p0  }
0x20: {  	[sflag:s8] =	ssyncset.s32 @!p0 $0xFFFFF086;
	s6 =	sadd.s32 @!p0 s3, s7;
	s7 =	simm.s32 @!p0 $0x108  }
0x21: {  	s3 =	sadd.s32 s3, s9;
	s6 =	sadd.s32 @!p0 $0x88, s6;
	s7 =	simm.s32 @p2 $0x1082  }
0x22: {  	[simem:s7], [sflag:s8] =	dma.local @!p0 [hbm:s6], $0xF7A  }
0x23: {  	s9 =	sor.u32 $0xD0000000, s2;
	s6 =	simm.s32 $0x108;
	_ =	swait.ge @!p0 [sflag:s8], $0x0  }
0x24: {  	s3 =	sadd.s32 $0x88, s3;
	s6 =	simm.s32 @!p1 $0x1082;
	[sflag:s4] =	ssyncset.s32 $0xFFFFF086  }
0x25: {  	[simem:s6], [sflag:s4] =	dma.local [hbm:s3], $0xF7A  }
0x26: {  	[smem:$0x3F88] =	sst s1;
	(tag) =	ssettag s2;
	_ =	strace s9  }
0x27: {  	s1 =	sld [smem:$0x3F98]  }
0x28: {  	s2 =	sld [smem:$0x3F99]  }
0x29: {  	s4 =	sld [smem:$0x3F9B]  }
0x2a: {  	p0 =	seq.s32 s5, $0x0;
	s5 =	sld [smem:$0x3F9C]  }
0x2b: {  	s6 =	sld [smem:$0x3F9D]  }
0x2c: {  	s7 =	sld [smem:$0x3F9E]  }
0x2d: {  	s3 =	simm.s32 $0x108;
	s8 =	sld [smem:$0x3F9F]  }
0x2e: {  	s3 =	simm.s32 @!p0 $0x1082;
	s9 =	sld [smem:$0x3FA0]  }
0x2f: {  	lr =	sadd.s32 s0, s3;
	s0 =	sld [smem:$0x3F97]  }
0x30: {  	s3 =	sld [smem:$0x3F9A]  }
0x31: {  	[smem:$0x3FA3] =	sst s10  }
0x32: {  	s10 =	sld [smem:$0x3FA1];
	_ =	sdelay $0x3  }
0x33: {  	p0 =	seq.s32 s10, $0x1;
	s10 =	sld [smem:$0x3FA3];
	_ =	sdelay $0x3  }
0x34: {  	[smem:$0x3FA3] =	sst s10  }
0x35: {  	s10 =	sld [smem:$0x3FA2];
	_ =	sdelay $0x3  }
0x36: {  	p1 =	seq.s32 s10, $0x1;
	s10 =	sld [smem:$0x3FA3];
	_ =	sdelay $0x3  }
0x37: {  	[smem:$0x3FA3] =	sst s10  }
0x38: {  	s10 =	sld [smem:$0x3FA4]  }
0x39: {  	_ = 	snop;
	(pc) =	sbr.ind lr, $3  }
0x3a: {  	_ = 	snop  }
0x3b: {  	_ = 	snop  }
0x3c: {  	p2 =	seq.s32 s10, $0x1;
	s10 =	sld [smem:$0x3FA3]  }
0x3d: {  	_ =	shalt  }
0x3e: {  	_ =	shalt  }
0x3f: {  	_ =	shalt  }
0x40: {  	_ =	shalt  }
0x41: {  	_ =	shalt  }
0x42: {  	_ =	shalt  }
0x43: {  	_ =	shalt  }
0x44: {  	_ =	shalt  }
0x45: {  	_ =	shalt  }
0x46: {  	_ =	shalt  }
0x47: {  	_ =	shalt  }
0x48: {  	_ =	shalt  }
0x49: {  	_ =	shalt  }
0x4a: {  	_ =	shalt  }
0x4b: {  	_ =	shalt  }
0x4c: {  	_ =	shalt  }
0x4d: {  	_ =	shalt  }
0x4e: {  	_ =	shalt  }
0x4f: {  	_ =	shalt  }
0x50: {  	_ =	shalt  }
0x51: {  	_ =	shalt  }
0x52: {  	_ =	shalt  }
0x53: {  	_ =	shalt  }
0x54: {  	_ =	shalt  }
0x55: {  	_ =	shalt  }
0x56: {  	_ =	shalt  }
0x57: {  	_ =	shalt  }
0x58: {  	_ =	shalt  }
0x59: {  	_ =	shalt  }
0x5a: {  	_ =	shalt  }
0x5b: {  	_ =	shalt  }
0x5c: {  	_ =	shalt  }
0x5d: {  	_ =	shalt  }
0x5e: {  	_ =	shalt  }
0x5f: {  	_ =	shalt  }
0x60: {  	_ =	shalt  }
0x61: {  	_ =	shalt  }
0x62: {  	_ =	shalt  }
0x63: {  	_ =	shalt  }
0x64: {  	_ =	shalt  }
0x65: {  	_ =	shalt  }
0x66: {  	_ =	shalt  }
0x67: {  	_ =	shalt  }
0x68: {  	_ =	shalt  }
0x69: {  	_ =	shalt  }
0x6a: {  	_ =	shalt  }
0x6b: {  	_ =	shalt  }
0x6c: {  	_ =	shalt  }
0x6d: {  	_ =	shalt  }
0x6e: {  	_ =	shalt  }
0x6f: {  	_ =	shalt  }
0x70: {  	_ =	shalt  }
0x71: {  	_ =	shalt  }
0x72: {  	_ =	shalt  }
0x73: {  	_ =	shalt  }
0x74: {  	_ =	shalt  }
0x75: {  	_ =	shalt  }
0x76: {  	_ =	shalt  }
0x77: {  	_ =	shalt  }
0x78: {  	_ =	shalt  }
0x79: {  	_ =	shalt  }
0x7a: {  	_ =	shalt  }
0x7b: {  	_ =	shalt  }
0x7c: {  	_ =	shalt  }
0x7d: {  	_ =	shalt  }
0x7e: {  	_ =	shalt  }
0x7f: {  	_ =	shalt  }
0x80: {  	_ =	shalt  }
0x81: {  	_ =	shalt  }
0x82: {  	_ =	shalt  }
0x83: {  	_ =	shalt  }
0x84: {  	_ =	shalt  }
0x85: {  	_ =	shalt  }
0x86: {  	_ =	shalt  }
0x87: {  	_ =	shalt  }
.Lfunc_end0:
.L_simem_size_0:
called_computation.1_lowered:
.L_overlay_start_0:
0x88: {  	s2 =	sld [smem:$0x3FD9]  }
0x89: {  	s3 =	sld [smem:$0x3FFE];
	_ =	sdelay $0x1  }
0x8a: {  	s1 =	srdreg.scid  }
0x8b: {  	s0 =	sand.u32 $0x1, s1  }
0x8c: {  	s16 =	sshll.u32 s0, $0xA;
	s2 =	sadd.s32 s3, s2  }
0x8d: {  	s2 =	sadd.s32 s2, s16  }
0x8e: {  	[smem:$0x3FAF] =	sst s2  }
0x8f: {  	_ = 	snop  }
0x90: {  	(tm) =	ssettm $0x1  }
0x91: {  	s17 =	sld [smem:$0x3FFB];
	_ =	sdelay $0x3  }
0x92: {  	_ =	strace s17  }
0x93: {  	s2 =	sld [smem:$0x3FFC];
	_ =	sdelay $0x3  }
0x94: {  	_ =	strace s2  }
0x95: {  	s2 =	sld [smem:$0x3FFD];
	_ =	sdelay $0x3  }
0x96: {  	_ =	strace s2  }
0x97: {  	_ =	strace $0x8FFFFFFF  }
0x98: {  	s18 =	sld [smem:$0x3FDB];
	_ =	sdelay $0x1  }
0x99: {  	s19 =	simm.s32 $_scs_section_size  }
0x9a: {  	s4 =	simm.s32 $_size__tile_overlayer_lowered;
	s5 =	simm.s32 $_tile_overlayer_lowered  }
0x9b: {  	s22 =	simm.s32 $0x1BFF;
	s21 =	sshll.u32 s5, $0x1;
	s2 =	sadd.s32 s19, s18  }
0x9c: {  	s6 =	simm.s32 $0x0;
	s20 =	sshll.u32 s4, $0x1;
	s4 =	sadd.s32 s21, s2  }
0x9d: {  	[timem:s6], [sflag:s22] =	dma.local [hbm:s4], s20  }
0x9e: {  	_ =	swait.ge [sflag:s22], s20  }
0x9f: {  	s3 =	ssub.s32 $0x0, s20;
	[sflag:s22] =	ssyncset.done $0x0  }
0xa0: {  	[sflag:s22] =	ssyncadd.s32 s3;
	_ =	sdelay $0x1  }
0xa1: {  	s23 =	simm.s32 $0x1B8B  }
0xa2: {  	_ =	swait.ge [sflag:s23], $0x1  }
0xa3: {  	[sflag:s23] =	ssyncset.done $0x0  }
0xa4: {  	s25 =	simm.s32 $0x1B8E;
	s24 =	sld [smem:$0x3FFE];
	[sflag:s23] =	ssyncadd.s32 $0xFFFFFFFF  }
0xa5: {  	s26 =	simm.s32 $execute0_lowered;
	[smem:$0x3FD2] =	sst s25  }
0xa6: {  	s4 =	sshll.u32 s26, $0x1;
	_ =	strace $0x80000049;
	[dreg:$0x1] =	wrdreg $0xFFFFFFFF  }
0xa7: {  	s28 =	simm.s32 $_size_execute0_lowered;
	s2 =	sadd.s32 s2, s4;
	[dreg:$0x0] =	wrdreg $0x0  }
0xa8: {  	s4 =	sshll.u32 s28, $0x1;
	[dreg:$0x2] =	wrdreg s2  }
0xa9: {  	[dreg:$0x3] =	wrdreg s4  }
0xaa: {  	[dreg:$0x4] =	wrdreg $0xC0  }
0xab: {  	_ =	task [dreg:s6], $0x5FFFF  }
0xac: {  	[dreg:$0x1] =	wrdreg $0xFFFFFFFF  }
0xad: {  	[dreg:$0x0] =	wrdreg $0x60  }
0xae: {  	[dreg:$0x2] =	wrdreg s24  }
0xaf: {  	[dreg:$0x3] =	wrdreg $0x12E000  }
0xb0: {  	[dreg:$0x4] =	wrdreg $0x90000  }
0xb1: {  	[dreg:$0x5] =	wrdreg $0x9  }
0xb2: {  	_ =	task.clear_ibuf [dreg:s6], $0x6FFFF;
	_ =	strace $0x90000049  }
0xb3: {  	s29 =	simm.s32 $0x9;
	_ =	strace $0x8000004B  }
0xb4: {  	_ =	swait.ge [sflag:s29], $0x1  }
0xb5: {  	[sflag:s29] =	ssyncadd.s32 $0xFFFFFFFF  }
0xb6: {  	_ =	strace $0x9000004B  }
0xb7: {  	_ =	sfence  }
0xb8: {  	s30 =	sld [smem:$0x0];
	_ =	sdelay $0x2  }
0xb9: {  	s31 =	sshll.u32 s1, $0xD;
	s1 =	sshrl.u32 s1, $0x2  }
0xba: {  	s3 =	sand.u32 $0x4000, s31;
	s1 =	sadd.s32 s1, s30  }
0xbb: {  	s0 =	sor.u32 s3, s0;
	s1 =	sshll.u32 s1, $0x11  }
0xbc: {  	s0 =	sor.u32 s1, s0  }
0xbd: {  	s0 =	sadd.s32 $0x8F2B, s0  }
0xbe: {  	[sflag:s0] =	ssyncadd.remote.s32 $0x1  }
0xbf: {  	_ =	sfence.sel $0xFFFF  }
0xc0: {  	[dreg:$0x0] =	wrdreg $0xFFFFFFFF;
	(pc) =	sbr.abs _section_cstart, $3  }
0xc1: {  	[dreg:$0x1] =	wrdreg $0xFFFFFFFF  }
0xc2: {  	_ =	task.clear_ibuf [dreg:s6], $0x2FFFF;
	_ =	strace $0x9FFFFFFF  }
0xc3: {  	(tm) =	ssettm $0x7FFFFFFF  }
tec
execute0_lowered:
.L_overlay_start_1:
0x0: {  	(tag) =	ssettag $0x1  }
0x1: {  	s5 =	rddreg [dreg:$0x0]  }
0x2: {  	s2 =	rddreg [dreg:$0x1]  }
0x3: {  	s3 =	rddreg [dreg:$0x2]  }
0x4: {  	s0 =	rddreg [dreg:$0x3];
	s1 =	stileid.u32  }
0x5: {  	s6 =	srdreg.scid;
	s4 =	simm.s32 $0x0;
	s16 =	simm.s32 $0x80  }
0x6: {  	s17 =	simm.s32 $0x5000;
	s18 =	simm.s32 $0x7000;
	s19 =	simm.s32 $0x1  }
0x7: {  	s20 =	simm.s32 $0x2;
	s21 =	simm.s32 $0x2780;
	s22 =	simm.s32 $0x4F00  }
0x8: {  	s23 =	simm.s32 $0x4F80;
	s24 =	simm.s32 $0x0;
	s7 =	smul.u32 $0x9E00, s1  }
0x9: {  	s6 =	sand.u32 $0x1, s6;
	[smem:$0x7FF] =	sst s4;
	s8 =	sshll.u32 s1, $0x1  }
0xa: {  	s31 =	sshll.u32 s1, $0x6;
	s9 =	smul.u32 $0x9E000, s6;
	_ =	strace $0x8000004A  }
0xb: {  	s8 =	sor.u32 s6, s8;
	s6 =	ssub.s32 $0x2, s6;
	s10 =	sshrl.u32 s7, $0x3  }
0xc: {  	s8 =	smul.u32 $0x500, s8;
	s30 =	sshrl.u32 s6, $0x1;
	s14 =	sadd.s32 s7, s2  }
0xd: {  	s15 =	sadd.s32 s7, s3;
	s9 =	sadd.s32 s7, s9;
	s10 =	sadd.s32 s10, s5  }
0xe: {  	s13 =	ssub.s32 s6, s30;
	s6 =	sor.u32 $0x1C03, s31;
	s9 =	sshrl.u32 s9, $0x3  }
0xf: {  	s11 =	sadd.s32 s8, s5;
	s7 =	sadd.s32 $0x29000, s10;
	s12 =	sadd.s32 s9, s5  }
0x10: {  	s5 =	sadd.s32 $0x15400, s10;
	s8 =	sadd.s32 $0xB400, s11;
	s9 =	sadd.s32 $0x1400, s11  }
0x11: {  	s11 =	smax.u32 s13, $0x1;
	s13 =	simm.s32 $0x3;
	s10 =	sadd.s32 $0x3CC00, s12  }
0x12: {  	s12 =	sshrl.u32 s14, $0x3;
	s14 =	sshrl.u32 s15, $0x3;
	s15 =	simm.s32 $0x2800  }
.LBB2_1:
0x13: {  	[spmem:s12], [sflag:s6] =	dma.local [hbm:s5], $0x13C0  }
0x14: {  	_ =	swait.ge [sflag:s13], $0x13C0  }
0x15: {  	[sflag:s13] =	ssyncset.done $0x0  }
0x16: {  	[sflag:s13] =	ssyncadd.s32 $0xFFFFEC40  }
0x17: {  	[spmem:s14], [sflag:s6] =	dma.local [hbm:s7], $0x13C0  }
0x18: {  	_ =	swait.ge [sflag:s13], $0x13C0  }
0x19: {  	[sflag:s13] =	ssyncset.done $0x0  }
0x1a: {  	[sflag:s13] =	ssyncadd.s32 $0xFFFFEC40  }
0x1b: {  	[tilespmem:s4], [sflag:$0x3] =	stream.linear.gather [hbm4b:s8+s4], $0x2800, $0x38;
	[tilespmem:$0x1CC00] =	vst v63  }
0x1c: {  	_ =	swait.ge [sflag:s13], $0x2800  }
0x1d: {  	[sflag:s13] =	ssyncset.done $0x0  }
0x1e: {  	[sflag:s13] =	ssyncadd.s32 $0xFFFFD800  }
0x1f: {  	[tilespmem:s15], [sflag:$0x3] =	stream.linear.gather [hbm4b:s9+s4], $0x2800, $0x38;
	[tilespmem:$0x1CC00] =	vst v63  }
0x20: {  	_ =	swait.ge [sflag:s13], $0x2800  }
0x21: {  	[sflag:s13] =	ssyncset.done $0x0  }
0x22: {  	[sflag:s13] =	ssyncadd.s32 $0xFFFFD800  }
0x23: {  	[bflag:$0x0] =	sbarrier.arrive $0xFFFF  }
0x24: {  	[tilespmem:s17], [sflag:$0x1] =	stream.indirect.gather [spmem:s3], $0x40, s4, s16, $0xb8;
	[tilespmem:$0x1CC00] =	vst v63  }
0x25: {  	s25 =	simm.s32 $0x80  }
0x26: {  	[tilespmem:s18], [sflag:$0x2] =	stream.indirect.gather [spmem:s3], $0x40, s25, s16, $0xb8;
	[tilespmem:$0x1CC00] =	vst v63  }
0x27: {  	_ =	swait.ge [sflag:s19], $0x2000  }
0x28: {  	[sflag:s19] =	ssyncset.done $0x0  }
0x29: {  	s29 =	simm.s32 $0x2800;
	[sflag:s19] =	ssyncadd.s32 $0xFFFFE000  }
0x2a: {  	[spmem:s2] =	stream.indirect.scatter.add.f32 [tilespmem:s17], [sflag:$0x3], $0x40, s29, s16, $0xb8;
	[tilespmem:$0x1CC00] =	vst v63  }
0x2b: {  	_ =	swait.ge [sflag:s13], $0x2000  }
0x2c: {  	[sflag:s13] =	ssyncset.done $0x0  }
0x2d: {  	s30 =	simm.s32 $0x100;
	[sflag:s13] =	ssyncadd.s32 $0xFFFFE000  }
0x2e: {  	[tilespmem:s17], [sflag:$0x1] =	stream.indirect.gather [spmem:s3], $0x40, s30, s16, $0xb8;
	[tilespmem:$0x1CC00] =	vst v63  }
0x2f: {  	_ =	swait.ge [sflag:s20], $0x2000  }
0x30: {  	[sflag:s20] =	ssyncset.done $0x0  }
0x31: {  	s31 =	simm.s32 $0x2880;
	[sflag:s20] =	ssyncadd.s32 $0xFFFFE000  }
0x32: {  	[spmem:s2] =	stream.indirect.scatter.add.f32 [tilespmem:s18], [sflag:$0x3], $0x40, s31, s16, $0xb8;
	[tilespmem:$0x1CC00] =	vst v63  }
0x33: {  	_ =	swait.ge [sflag:s13], $0x2000  }
0x34: {  	s26 =	simm.s32 $0x800;
	s25 =	simm.s32 $0x100;
	[sflag:s13] =	ssyncset.done $0x0  }
.LBB2_2:
0x35: {  	s28 =	sadd.s32 $0x80, s25  }
0x36: {  	[sflag:s13] =	ssyncadd.s32 $0xFFFFE000;
	s29 =	smov.u32 s26;
	s30 =	sadd.s32 $0x400, s26  }
0x37: {  	[tilespmem:s18], [sflag:$0x2] =	stream.indirect.gather [spmem:s3], $0x40, s28, s16, $0xb8;
	[tilespmem:$0x1CC00] =	vst v63  }
0x38: {  	p0 =	sne.s32 s26, $0x9800;
	_ =	swait.ge [sflag:s19], $0x2000  }
0x39: {  	[sflag:s19] =	ssyncset.done $0x0  }
0x3a: {  	s26 =	sadd.s32 $0x2800, s25;
	[sflag:s19] =	ssyncadd.s32 $0xFFFFE000  }
0x3b: {  	[spmem:s2] =	stream.indirect.scatter.add.f32 [tilespmem:s17], [sflag:$0x3], $0x40, s26, s16, $0xb8;
	[tilespmem:$0x1CC00] =	vst v63  }
0x3c: {  	_ =	swait.ge [sflag:s13], $0x2000  }
0x3d: {  	[sflag:s13] =	ssyncset.done $0x0  }
0x3e: {  	s26 =	sadd.s32 $0x100, s25;
	[sflag:s13] =	ssyncadd.s32 $0xFFFFE000  }
0x3f: {  	[tilespmem:s17], [sflag:$0x1] =	stream.indirect.gather [spmem:s3], $0x40, s26, s16, $0xb8;
	[tilespmem:$0x1CC00] =	vst v63  }
0x40: {  	_ =	swait.ge [sflag:s20], $0x2000  }
.Ltmp0:
0x41: {  	[sflag:s20] =	ssyncset.done $0x0;
	(pc) =	sbr.rel @p0 .LBB2_2-.Ltmp0, $4  }
0x42: {  	s25 =	sadd.s32 $0x2880, s25;
	[sflag:s20] =	ssyncadd.s32 $0xFFFFE000  }
0x43: {  	[spmem:s2] =	stream.indirect.scatter.add.f32 [tilespmem:s18], [sflag:$0x3], $0x40, s25, s16, $0xb8;
	[tilespmem:$0x1CC00] =	vst v63  }
0x44: {  	_ =	swait.ge [sflag:s13], $0x2000  }
0x45: {  	s26 =	smov.u32 s30;
	s25 =	sshra.s32 s29, $0x2;
	[sflag:s13] =	ssyncset.done $0x0  }
0x46: {  	s26 =	sadd.s32 $0x80, s25;
	[sflag:s13] =	ssyncadd.s32 $0xFFFFE000  }
0x47: {  	[tilespmem:s18], [sflag:$0x2] =	stream.indirect.gather [spmem:s3], $0x40, s26, s16, $0xb8;
	[tilespmem:$0x1CC00] =	vst v63  }
0x48: {  	_ =	swait.ge [sflag:s19], $0x2000  }
0x49: {  	[sflag:s19] =	ssyncset.done $0x0  }
0x4a: {  	s29 =	sadd.s32 $0x2800, s25;
	[sflag:s19] =	ssyncadd.s32 $0xFFFFE000  }
0x4b: {  	[spmem:s2] =	stream.indirect.scatter.add.f32 [tilespmem:s17], [sflag:$0x3], $0x40, s29, s16, $0xb8;
	[tilespmem:$0x1CC00] =	vst v63  }
0x4c: {  	_ =	swait.ge [sflag:s13], $0x2000  }
0x4d: {  	[sflag:s13] =	ssyncset.done $0x0  }
0x4e: {  	s30 =	sadd.s32 $0x100, s25;
	[sflag:s13] =	ssyncadd.s32 $0xFFFFE000  }
0x4f: {  	[tilespmem:s17], [sflag:$0x1] =	stream.indirect.gather [spmem:s3], $0x40, s30, s16, $0xb8;
	[tilespmem:$0x1CC00] =	vst v63  }
0x50: {  	_ =	swait.ge [sflag:s20], $0x2000  }
0x51: {  	[sflag:s20] =	ssyncset.done $0x0  }
0x52: {  	s31 =	sadd.s32 $0x2880, s25;
	[sflag:s20] =	ssyncadd.s32 $0xFFFFE000  }
0x53: {  	[spmem:s2] =	stream.indirect.scatter.add.f32 [tilespmem:s18], [sflag:$0x3], $0x40, s31, s16, $0xb8;
	[tilespmem:$0x1CC00] =	vst v63  }
0x54: {  	_ =	swait.ge [sflag:s13], $0x2000  }
0x55: {  	[sflag:s13] =	ssyncset.done $0x0  }
0x56: {  	[sflag:s13] =	ssyncadd.s32 $0xFFFFE000  }
0x57: {  	[tilespmem:s18], [sflag:$0x2] =	stream.indirect.gather [spmem:s3], $0x40, s21, s16, $0xb8;
	[tilespmem:$0x1CC00] =	vst v63  }
0x58: {  	_ =	swait.ge [sflag:s19], $0x2000  }
0x59: {  	[sflag:s19] =	ssyncset.done $0x0  }
0x5a: {  	[sflag:s19] =	ssyncadd.s32 $0xFFFFE000  }
0x5b: {  	[spmem:s2] =	stream.indirect.scatter.add.f32 [tilespmem:s17], [sflag:$0x3], $0x40, s22, s16, $0xb8;
	[tilespmem:$0x1CC00] =	vst v63  }
0x5c: {  	_ =	swait.ge [sflag:s13], $0x2000  }
0x5d: {  	[sflag:s13] =	ssyncset.done $0x0  }
0x5e: {  	[sflag:s13] =	ssyncadd.s32 $0xFFFFE000  }
0x5f: {  	_ =	swait.ge [sflag:s20], $0x2000  }
0x60: {  	[sflag:s20] =	ssyncset.done $0x0  }
0x61: {  	[sflag:s20] =	ssyncadd.s32 $0xFFFFE000  }
0x62: {  	[spmem:s2] =	stream.indirect.scatter.add.f32 [tilespmem:s18], [sflag:$0x3], $0x40, s23, s16, $0xb8;
	[tilespmem:$0x1CC00] =	vst v63  }
0x63: {  	_ =	swait.ge [sflag:s13], $0x2000  }
0x64: {  	s24 =	sadd.s32 $0x1, s24;
	[sflag:s13] =	ssyncset.done $0x0  }
0x65: {  	p0 =	sne.s32 s24, s11;
	[sflag:s13] =	ssyncadd.s32 $0xFFFFE000  }
.Ltmp1:
0x66: {  	[bflag:$0x0] =	sbarrier.arrive $0xFFFF;
	(pc) =	sbr.rel @p0 .LBB2_1-.Ltmp1, $4  }
0x67: {  	[hbm:s10], [sflag:s6] =	dma.local [spmem:s12], $0x13C0  }
0x68: {  	_ =	swait.ge [sflag:s13], $0x13C0  }
0x69: {  	[sflag:s13] =	ssyncset.done $0x0  }
0x6a: {  	[sflag:s13] =	ssyncadd.s32 $0xFFFFEC40  }
0x6b: {  	_ =	sfence.sel $0x180000  }
0x6c: {  	[bflag:$0x0] =	sbarrier.arrive $0xFFFF  }
0x6d: {  	p0 =	sne.s32 s1, $0x0;
	_ =	strace $0x9000004A  }
0x6e: {  	s0 =	sadd.s32 @!p0 $0x100000, s0;
	[bflag:$0x2] =	sbarrier.arrive $0xFFFF  }
0x6f: {  	[sflag:s0] =	ssyncadd.tile.s32 @!p0 $0x1;
	_ =	shalt  }
.Lfunc_end2:
_tile_overlayer_lowered:
.L_overlay_start_2:
0x70: {  	(tag) =	ssettag $0x2  }
0x71: {  	s0 =	rddreg [dreg:$0x0];
	s2 =	stileid.u32  }
0x72: {  	s1 =	rddreg [dreg:$0x1];
	p0 =	sne.s32 s2, $0x0  }
0x73: {  	s3 =	rddreg [dreg:$0x2];
	[bflag:$0x3] =	sbarrier.arrive $0xFFFF;
	s2 =	simm.s32 @!p0 $0x1C03  }
0x74: {  	[timem:s3], [sflag:s2] =	dma.local @!p0 [hbm:s0], s1  }
0x75: {  	s0 =	simm.s32 @!p0 $0x3  }
0x76: {  	_ =	swait.ge @!p0 [sflag:s0], s1  }
0x77: {  	s1 =	ssub.s32 @!p0 $0x0, s1;
	[sflag:s0] =	ssyncset.done @!p0 $0x0  }
0x78: {  	[sflag:s0] =	ssyncadd.s32 @!p0 s1  }
0x79: {  	[bflag:$0x3] =	sbarrier.arrive $0xFFFF  }
0x7a: {  	_ =	shalt  }

// kernel: kernel.15.cloned.1.call-start
scs
__scs_entry_jumppad:
0x0: {  	(pc) =	sbr.rel $0x88, $3  }
0x1: {  	(tag) =	ssettag $0x0;
	lr =	simm.s32 $0x1  }
0x2: {  	[smem:$0x3F88] =	sst lr;
	_ =	strace $0xD0000000  }
0x3: {  	_ = 	snop  }
0x4: {  	_ = 	snop  }
0x5: {  	_ = 	snop  }
0x6: {  	_ = 	snop  }
0x7: {  	_ = 	snop  }
__scs_overlays_trampoline_lowered:
0x8: {  	[smem:$0x3F97] =	sst s0  }
0x9: {  	[smem:$0x3F98] =	sst s1  }
0xa: {  	[smem:$0x3F99] =	sst s2  }
0xb: {  	[smem:$0x3F9A] =	sst s3  }
0xc: {  	[smem:$0x3F9B] =	sst s4  }
0xd: {  	[smem:$0x3F9C] =	sst s5  }
0xe: {  	[smem:$0x3F9D] =	sst s6  }
0xf: {  	[smem:$0x3F9E] =	sst s7  }
0x10: {  	[smem:$0x3F9F] =	sst s8  }
0x11: {  	[smem:$0x3FA0] =	sst s9;
	s0 =	simm.s32 @!p0 $0x0  }
0x12: {  	s1 =	sld [smem:$0x3F86];
	s0 =	simm.s32 @p0 $0x1  }
0x13: {  	[smem:$0x3FA1] =	sst s0;
	s0 =	simm.s32 @!p1 $0x0  }
0x14: {  	s2 =	sld [smem:$0x3F85];
	s0 =	simm.s32 @p1 $0x1  }
0x15: {  	[smem:$0x3FA2] =	sst s0;
	s0 =	simm.s32 @!p2 $0x0  }
0x16: {  	s3 =	sld [smem:$0x3FDB];
	s0 =	simm.s32 @p2 $0x1  }
0x17: {  	s4 =	simm.s32 $0x1BF5;
	[smem:$0x3FA4] =	sst s0  }
0x18: {  	s0 =	sld [smem:$0x3F87];
	_ =	swait.ge [sflag:s4], $0x0  }
0x19: {  	s7 =	sld [smem:$0x3F88]  }
0x1a: {  	s8 =	sadd.s32 $0xFFFFE003, lr  }
0x1b: {  	s9 =	sadd.s32 $0xFFFFFEF7, lr;
	s5 =	simm.s32 $0xFFFFFFFF;
	p2 =	slt.u32 s8, $0xFFFFF086  }
0x1c: {  	p1 =	slt.u32 s9, $0xF7A;
	s5 =	simm.s32 @!p2 $0x0  }
0x1d: {  	s5 =	simm.s32 @p1 $0x1;
	p0 =	seq.s32 s7, s2  }
0x1e: {  	s7 =	smul.u32 @!p0 $0xF7A, s2;
	p2 =	seq.s32 @!p0 s5, $0x0  }
0x1f: {  	s9 =	smul.u32 $0xF7A, s1;
	s8 =	simm.s32 @!p0 $0x1BF5;
	p2 =	por !p2, p0  }
0x20: {  	[sflag:s8] =	ssyncset.s32 @!p0 $0xFFFFF086;
	s6 =	sadd.s32 @!p0 s3, s7;
	s7 =	simm.s32 @!p0 $0x108  }
0x21: {  	s3 =	sadd.s32 s3, s9;
	s6 =	sadd.s32 @!p0 $0x88, s6;
	s7 =	simm.s32 @p2 $0x1082  }
0x22: {  	[simem:s7], [sflag:s8] =	dma.local @!p0 [hbm:s6], $0xF7A  }
0x23: {  	s9 =	sor.u32 $0xD0000000, s2;
	s6 =	simm.s32 $0x108;
	_ =	swait.ge @!p0 [sflag:s8], $0x0  }
0x24: {  	s3 =	sadd.s32 $0x88, s3;
	s6 =	simm.s32 @!p1 $0x1082;
	[sflag:s4] =	ssyncset.s32 $0xFFFFF086  }
0x25: {  	[simem:s6], [sflag:s4] =	dma.local [hbm:s3], $0xF7A  }
0x26: {  	[smem:$0x3F88] =	sst s1;
	(tag) =	ssettag s2;
	_ =	strace s9  }
0x27: {  	s1 =	sld [smem:$0x3F98]  }
0x28: {  	s2 =	sld [smem:$0x3F99]  }
0x29: {  	s4 =	sld [smem:$0x3F9B]  }
0x2a: {  	p0 =	seq.s32 s5, $0x0;
	s5 =	sld [smem:$0x3F9C]  }
0x2b: {  	s6 =	sld [smem:$0x3F9D]  }
0x2c: {  	s7 =	sld [smem:$0x3F9E]  }
0x2d: {  	s3 =	simm.s32 $0x108;
	s8 =	sld [smem:$0x3F9F]  }
0x2e: {  	s3 =	simm.s32 @!p0 $0x1082;
	s9 =	sld [smem:$0x3FA0]  }
0x2f: {  	lr =	sadd.s32 s0, s3;
	s0 =	sld [smem:$0x3F97]  }
0x30: {  	s3 =	sld [smem:$0x3F9A]  }
0x31: {  	[smem:$0x3FA3] =	sst s10  }
0x32: {  	s10 =	sld [smem:$0x3FA1];
	_ =	sdelay $0x3  }
0x33: {  	p0 =	seq.s32 s10, $0x1;
	s10 =	sld [smem:$0x3FA3];
	_ =	sdelay $0x3  }
0x34: {  	[smem:$0x3FA3] =	sst s10  }
0x35: {  	s10 =	sld [smem:$0x3FA2];
	_ =	sdelay $0x3  }
0x36: {  	p1 =	seq.s32 s10, $0x1;
	s10 =	sld [smem:$0x3FA3];
	_ =	sdelay $0x3  }
0x37: {  	[smem:$0x3FA3] =	sst s10  }
0x38: {  	s10 =	sld [smem:$0x3FA4]  }
0x39: {  	_ = 	snop;
	(pc) =	sbr.ind lr, $3  }
0x3a: {  	_ = 	snop  }
0x3b: {  	_ = 	snop  }
0x3c: {  	p2 =	seq.s32 s10, $0x1;
	s10 =	sld [smem:$0x3FA3]  }
0x3d: {  	_ =	shalt  }
0x3e: {  	_ =	shalt  }
0x3f: {  	_ =	shalt  }
0x40: {  	_ =	shalt  }
0x41: {  	_ =	shalt  }
0x42: {  	_ =	shalt  }
0x43: {  	_ =	shalt  }
0x44: {  	_ =	shalt  }
0x45: {  	_ =	shalt  }
0x46: {  	_ =	shalt  }
0x47: {  	_ =	shalt  }
0x48: {  	_ =	shalt  }
0x49: {  	_ =	shalt  }
0x4a: {  	_ =	shalt  }
0x4b: {  	_ =	shalt  }
0x4c: {  	_ =	shalt  }
0x4d: {  	_ =	shalt  }
0x4e: {  	_ =	shalt  }
0x4f: {  	_ =	shalt  }
0x50: {  	_ =	shalt  }
0x51: {  	_ =	shalt  }
0x52: {  	_ =	shalt  }
0x53: {  	_ =	shalt  }
0x54: {  	_ =	shalt  }
0x55: {  	_ =	shalt  }
0x56: {  	_ =	shalt  }
0x57: {  	_ =	shalt  }
0x58: {  	_ =	shalt  }
0x59: {  	_ =	shalt  }
0x5a: {  	_ =	shalt  }
0x5b: {  	_ =	shalt  }
0x5c: {  	_ =	shalt  }
0x5d: {  	_ =	shalt  }
0x5e: {  	_ =	shalt  }
0x5f: {  	_ =	shalt  }
0x60: {  	_ =	shalt  }
0x61: {  	_ =	shalt  }
0x62: {  	_ =	shalt  }
0x63: {  	_ =	shalt  }
0x64: {  	_ =	shalt  }
0x65: {  	_ =	shalt  }
0x66: {  	_ =	shalt  }
0x67: {  	_ =	shalt  }
0x68: {  	_ =	shalt  }
0x69: {  	_ =	shalt  }
0x6a: {  	_ =	shalt  }
0x6b: {  	_ =	shalt  }
0x6c: {  	_ =	shalt  }
0x6d: {  	_ =	shalt  }
0x6e: {  	_ =	shalt  }
0x6f: {  	_ =	shalt  }
0x70: {  	_ =	shalt  }
0x71: {  	_ =	shalt  }
0x72: {  	_ =	shalt  }
0x73: {  	_ =	shalt  }
0x74: {  	_ =	shalt  }
0x75: {  	_ =	shalt  }
0x76: {  	_ =	shalt  }
0x77: {  	_ =	shalt  }
0x78: {  	_ =	shalt  }
0x79: {  	_ =	shalt  }
0x7a: {  	_ =	shalt  }
0x7b: {  	_ =	shalt  }
0x7c: {  	_ =	shalt  }
0x7d: {  	_ =	shalt  }
0x7e: {  	_ =	shalt  }
0x7f: {  	_ =	shalt  }
0x80: {  	_ =	shalt  }
0x81: {  	_ =	shalt  }
0x82: {  	_ =	shalt  }
0x83: {  	_ =	shalt  }
0x84: {  	_ =	shalt  }
0x85: {  	_ =	shalt  }
0x86: {  	_ =	shalt  }
0x87: {  	_ =	shalt  }
.Lfunc_end0:
.L_simem_size_0:
called_computation.2_lowered:
.L_overlay_start_0:
0x88: {  	s2 =	sld [smem:$0x3FD9]  }
0x89: {  	s3 =	sld [smem:$0x3FFE];
	_ =	sdelay $0x1  }
0x8a: {  	s1 =	srdreg.scid  }
0x8b: {  	s0 =	sand.u32 $0x1, s1  }
0x8c: {  	s16 =	sshll.u32 s0, $0xA;
	s2 =	sadd.s32 s3, s2  }
0x8d: {  	s2 =	sadd.s32 s2, s16  }
0x8e: {  	[smem:$0x3FAF] =	sst s2  }
0x8f: {  	_ = 	snop  }
0x90: {  	(tm) =	ssettm $0x1  }
0x91: {  	s17 =	sld [smem:$0x3FFB];
	_ =	sdelay $0x3  }
0x92: {  	_ =	strace s17  }
0x93: {  	s2 =	sld [smem:$0x3FFC];
	_ =	sdelay $0x3  }
0x94: {  	_ =	strace s2  }
0x95: {  	s2 =	sld [smem:$0x3FFD];
	_ =	sdelay $0x3  }
0x96: {  	_ =	strace s2  }
0x97: {  	_ =	strace $0x8FFFFFFF  }
0x98: {  	s18 =	sld [smem:$0x3FDB];
	_ =	sdelay $0x1  }
0x99: {  	s19 =	simm.s32 $_scs_section_size  }
0x9a: {  	s4 =	simm.s32 $_size__tile_overlayer_lowered;
	s5 =	simm.s32 $_tile_overlayer_lowered  }
0x9b: {  	s22 =	simm.s32 $0x1BFF;
	s21 =	sshll.u32 s5, $0x1;
	s2 =	sadd.s32 s19, s18  }
0x9c: {  	s6 =	simm.s32 $0x0;
	s20 =	sshll.u32 s4, $0x1;
	s4 =	sadd.s32 s21, s2  }
0x9d: {  	[timem:s6], [sflag:s22] =	dma.local [hbm:s4], s20  }
0x9e: {  	_ =	swait.ge [sflag:s22], s20  }
0x9f: {  	s3 =	ssub.s32 $0x0, s20;
	[sflag:s22] =	ssyncset.done $0x0  }
0xa0: {  	[sflag:s22] =	ssyncadd.s32 s3;
	_ =	sdelay $0x1  }
0xa1: {  	s23 =	simm.s32 $0x1B8B  }
0xa2: {  	_ =	swait.ge [sflag:s23], $0x1  }
0xa3: {  	[sflag:s23] =	ssyncset.done $0x0  }
0xa4: {  	s25 =	simm.s32 $0x1B8E;
	s24 =	sld [smem:$0x3FFE];
	[sflag:s23] =	ssyncadd.s32 $0xFFFFFFFF  }
0xa5: {  	s26 =	simm.s32 $execute0_lowered;
	[smem:$0x3FD2] =	sst s25  }
0xa6: {  	s4 =	sshll.u32 s26, $0x1;
	_ =	strace $0x8000004C;
	[dreg:$0x1] =	wrdreg $0xFFFFFFFF  }
0xa7: {  	s28 =	simm.s32 $_size_execute0_lowered;
	s2 =	sadd.s32 s2, s4;
	[dreg:$0x0] =	wrdreg $0x0  }
0xa8: {  	s4 =	sshll.u32 s28, $0x1;
	[dreg:$0x2] =	wrdreg s2  }
0xa9: {  	[dreg:$0x3] =	wrdreg s4  }
0xaa: {  	[dreg:$0x4] =	wrdreg $0xC0  }
0xab: {  	_ =	task [dreg:s6], $0x5FFFF  }
0xac: {  	[dreg:$0x1] =	wrdreg $0xFFFFFFFF  }
0xad: {  	[dreg:$0x0] =	wrdreg $0x60  }
0xae: {  	[dreg:$0x2] =	wrdreg s24  }
0xaf: {  	[dreg:$0x3] =	wrdreg $0x12E000  }
0xb0: {  	[dreg:$0x4] =	wrdreg $0x90000  }
0xb1: {  	[dreg:$0x5] =	wrdreg $0x9  }
0xb2: {  	_ =	task.clear_ibuf [dreg:s6], $0x6FFFF;
	_ =	strace $0x9000004C  }
0xb3: {  	s29 =	simm.s32 $0x9;
	_ =	strace $0x8000004E  }
0xb4: {  	_ =	swait.ge [sflag:s29], $0x1  }
0xb5: {  	[sflag:s29] =	ssyncadd.s32 $0xFFFFFFFF  }
0xb6: {  	_ =	strace $0x9000004E  }
0xb7: {  	_ =	sfence  }
0xb8: {  	s30 =	sld [smem:$0x0];
	_ =	sdelay $0x2  }
0xb9: {  	s31 =	sshll.u32 s1, $0xD;
	s1 =	sshrl.u32 s1, $0x2  }
0xba: {  	s3 =	sand.u32 $0x4000, s31;
	s1 =	sadd.s32 s1, s30  }
0xbb: {  	s0 =	sor.u32 s3, s0;
	s1 =	sshll.u32 s1, $0x11  }
0xbc: {  	s0 =	sor.u32 s1, s0  }
0xbd: {  	s0 =	sadd.s32 $0x8F2B, s0  }
0xbe: {  	[sflag:s0] =	ssyncadd.remote.s32 $0x1  }
0xbf: {  	_ =	sfence.sel $0xFFFF  }
0xc0: {  	[dreg:$0x0] =	wrdreg $0xFFFFFFFF;
	(pc) =	sbr.abs _section_cstart, $3  }
0xc1: {  	[dreg:$0x1] =	wrdreg $0xFFFFFFFF  }
0xc2: {  	_ =	task.clear_ibuf [dreg:s6], $0x2FFFF;
	_ =	strace $0x9FFFFFFF  }
0xc3: {  	(tm) =	ssettm $0x7FFFFFFF  }
tec
execute0_lowered:
.L_overlay_start_1:
0x0: {  	(tag) =	ssettag $0x1  }
0x1: {  	s5 =	rddreg [dreg:$0x0]  }
0x2: {  	s2 =	rddreg [dreg:$0x1]  }
0x3: {  	s3 =	rddreg [dreg:$0x2]  }
0x4: {  	s0 =	rddreg [dreg:$0x3];
	s1 =	stileid.u32  }
0x5: {  	s6 =	srdreg.scid;
	s4 =	simm.s32 $0x0;
	s16 =	simm.s32 $0x80  }
0x6: {  	s17 =	simm.s32 $0x5000;
	s18 =	simm.s32 $0x7000;
	s19 =	simm.s32 $0x1  }
0x7: {  	s20 =	simm.s32 $0x2;
	s21 =	simm.s32 $0x2780;
	s22 =	simm.s32 $0x4F00  }
0x8: {  	s23 =	simm.s32 $0x4F80;
	s24 =	simm.s32 $0x0;
	s7 =	smul.u32 $0x9E00, s1  }
0x9: {  	s6 =	sand.u32 $0x1, s6;
	[smem:$0x7FF] =	sst s4;
	s8 =	sshll.u32 s1, $0x1  }
0xa: {  	s31 =	sshll.u32 s1, $0x6;
	s9 =	smul.u32 $0x9E000, s6;
	_ =	strace $0x8000004D  }
0xb: {  	s8 =	sor.u32 s6, s8;
	s6 =	ssub.s32 $0x2, s6;
	s10 =	sshrl.u32 s7, $0x3  }
0xc: {  	s8 =	smul.u32 $0x500, s8;
	s30 =	sshrl.u32 s6, $0x1;
	s14 =	sadd.s32 s7, s2  }
0xd: {  	s15 =	sadd.s32 s7, s3;
	s9 =	sadd.s32 s7, s9;
	s10 =	sadd.s32 s10, s5  }
0xe: {  	s13 =	ssub.s32 s6, s30;
	s6 =	sor.u32 $0x1C03, s31;
	s9 =	sshrl.u32 s9, $0x3  }
0xf: {  	s11 =	sadd.s32 s8, s5;
	s7 =	sadd.s32 $0x50200, s10;
	s12 =	sadd.s32 s9, s5  }
0x10: {  	s5 =	sadd.s32 $0x15400, s10;
	s8 =	sadd.s32 $0xB400, s11;
	s9 =	sadd.s32 $0x1400, s11  }
0x11: {  	s11 =	smax.u32 s13, $0x1;
	s13 =	simm.s32 $0x3;
	s10 =	sadd.s32 $0x63E00, s12  }
0x12: {  	s12 =	sshrl.u32 s14, $0x3;
	s14 =	sshrl.u32 s15, $0x3;
	s15 =	simm.s32 $0x2800  }
.LBB2_1:
0x13: {  	[spmem:s12], [sflag:s6] =	dma.local [hbm:s5], $0x13C0  }
0x14: {  	_ =	swait.ge [sflag:s13], $0x13C0  }
0x15: {  	[sflag:s13] =	ssyncset.done $0x0  }
0x16: {  	[sflag:s13] =	ssyncadd.s32 $0xFFFFEC40  }
0x17: {  	[spmem:s14], [sflag:s6] =	dma.local [hbm:s7], $0x13C0  }
0x18: {  	_ =	swait.ge [sflag:s13], $0x13C0  }
0x19: {  	[sflag:s13] =	ssyncset.done $0x0  }
0x1a: {  	[sflag:s13] =	ssyncadd.s32 $0xFFFFEC40  }
0x1b: {  	[tilespmem:s4], [sflag:$0x3] =	stream.linear.gather [hbm4b:s8+s4], $0x2800, $0x38;
	[tilespmem:$0x1CC00] =	vst v63  }
0x1c: {  	_ =	swait.ge [sflag:s13], $0x2800  }
0x1d: {  	[sflag:s13] =	ssyncset.done $0x0  }
0x1e: {  	[sflag:s13] =	ssyncadd.s32 $0xFFFFD800  }
0x1f: {  	[tilespmem:s15], [sflag:$0x3] =	stream.linear.gather [hbm4b:s9+s4], $0x2800, $0x38;
	[tilespmem:$0x1CC00] =	vst v63  }
0x20: {  	_ =	swait.ge [sflag:s13], $0x2800  }
0x21: {  	[sflag:s13] =	ssyncset.done $0x0  }
0x22: {  	[sflag:s13] =	ssyncadd.s32 $0xFFFFD800  }
0x23: {  	[bflag:$0x0] =	sbarrier.arrive $0xFFFF  }
0x24: {  	[tilespmem:s17], [sflag:$0x1] =	stream.indirect.gather [spmem:s3], $0x40, s4, s16, $0xb8;
	[tilespmem:$0x1CC00] =	vst v63  }
0x25: {  	s25 =	simm.s32 $0x80  }
0x26: {  	[tilespmem:s18], [sflag:$0x2] =	stream.indirect.gather [spmem:s3], $0x40, s25, s16, $0xb8;
	[tilespmem:$0x1CC00] =	vst v63  }
0x27: {  	_ =	swait.ge [sflag:s19], $0x2000  }
0x28: {  	[sflag:s19] =	ssyncset.done $0x0  }
0x29: {  	s29 =	simm.s32 $0x2800;
	[sflag:s19] =	ssyncadd.s32 $0xFFFFE000  }
0x2a: {  	[spmem:s2] =	stream.indirect.scatter.add.f32 [tilespmem:s17], [sflag:$0x3], $0x40, s29, s16, $0xb8;
	[tilespmem:$0x1CC00] =	vst v63  }
0x2b: {  	_ =	swait.ge [sflag:s13], $0x2000  }
0x2c: {  	[sflag:s13] =	ssyncset.done $0x0  }
0x2d: {  	s30 =	simm.s32 $0x100;
	[sflag:s13] =	ssyncadd.s32 $0xFFFFE000  }
0x2e: {  	[tilespmem:s17], [sflag:$0x1] =	stream.indirect.gather [spmem:s3], $0x40, s30, s16, $0xb8;
	[tilespmem:$0x1CC00] =	vst v63  }
0x2f: {  	_ =	swait.ge [sflag:s20], $0x2000  }
0x30: {  	[sflag:s20] =	ssyncset.done $0x0  }
0x31: {  	s31 =	simm.s32 $0x2880;
	[sflag:s20] =	ssyncadd.s32 $0xFFFFE000  }
0x32: {  	[spmem:s2] =	stream.indirect.scatter.add.f32 [tilespmem:s18], [sflag:$0x3], $0x40, s31, s16, $0xb8;
	[tilespmem:$0x1CC00] =	vst v63  }
0x33: {  	_ =	swait.ge [sflag:s13], $0x2000  }
0x34: {  	s26 =	simm.s32 $0x800;
	s25 =	simm.s32 $0x100;
	[sflag:s13] =	ssyncset.done $0x0  }
.LBB2_2:
0x35: {  	s28 =	sadd.s32 $0x80, s25  }
0x36: {  	[sflag:s13] =	ssyncadd.s32 $0xFFFFE000;
	s29 =	smov.u32 s26;
	s30 =	sadd.s32 $0x400, s26  }
0x37: {  	[tilespmem:s18], [sflag:$0x2] =	stream.indirect.gather [spmem:s3], $0x40, s28, s16, $0xb8;
	[tilespmem:$0x1CC00] =	vst v63  }
0x38: {  	p0 =	sne.s32 s26, $0x9800;
	_ =	swait.ge [sflag:s19], $0x2000  }
0x39: {  	[sflag:s19] =	ssyncset.done $0x0  }
0x3a: {  	s26 =	sadd.s32 $0x2800, s25;
	[sflag:s19] =	ssyncadd.s32 $0xFFFFE000  }
0x3b: {  	[spmem:s2] =	stream.indirect.scatter.add.f32 [tilespmem:s17], [sflag:$0x3], $0x40, s26, s16, $0xb8;
	[tilespmem:$0x1CC00] =	vst v63  }
0x3c: {  	_ =	swait.ge [sflag:s13], $0x2000  }
0x3d: {  	[sflag:s13] =	ssyncset.done $0x0  }
0x3e: {  	s26 =	sadd.s32 $0x100, s25;
	[sflag:s13] =	ssyncadd.s32 $0xFFFFE000  }
0x3f: {  	[tilespmem:s17], [sflag:$0x1] =	stream.indirect.gather [spmem:s3], $0x40, s26, s16, $0xb8;
	[tilespmem:$0x1CC00] =	vst v63  }
0x40: {  	_ =	swait.ge [sflag:s20], $0x2000  }
.Ltmp0:
0x41: {  	[sflag:s20] =	ssyncset.done $0x0;
	(pc) =	sbr.rel @p0 .LBB2_2-.Ltmp0, $4  }
0x42: {  	s25 =	sadd.s32 $0x2880, s25;
	[sflag:s20] =	ssyncadd.s32 $0xFFFFE000  }
0x43: {  	[spmem:s2] =	stream.indirect.scatter.add.f32 [tilespmem:s18], [sflag:$0x3], $0x40, s25, s16, $0xb8;
	[tilespmem:$0x1CC00] =	vst v63  }
0x44: {  	_ =	swait.ge [sflag:s13], $0x2000  }
0x45: {  	s26 =	smov.u32 s30;
	s25 =	sshra.s32 s29, $0x2;
	[sflag:s13] =	ssyncset.done $0x0  }
0x46: {  	s26 =	sadd.s32 $0x80, s25;
	[sflag:s13] =	ssyncadd.s32 $0xFFFFE000  }
0x47: {  	[tilespmem:s18], [sflag:$0x2] =	stream.indirect.gather [spmem:s3], $0x40, s26, s16, $0xb8;
	[tilespmem:$0x1CC00] =	vst v63  }
0x48: {  	_ =	swait.ge [sflag:s19], $0x2000  }
0x49: {  	[sflag:s19] =	ssyncset.done $0x0  }
0x4a: {  	s29 =	sadd.s32 $0x2800, s25;
	[sflag:s19] =	ssyncadd.s32 $0xFFFFE000  }
0x4b: {  	[spmem:s2] =	stream.indirect.scatter.add.f32 [tilespmem:s17], [sflag:$0x3], $0x40, s29, s16, $0xb8;
	[tilespmem:$0x1CC00] =	vst v63  }
0x4c: {  	_ =	swait.ge [sflag:s13], $0x2000  }
0x4d: {  	[sflag:s13] =	ssyncset.done $0x0  }
0x4e: {  	s30 =	sadd.s32 $0x100, s25;
	[sflag:s13] =	ssyncadd.s32 $0xFFFFE000  }
0x4f: {  	[tilespmem:s17], [sflag:$0x1] =	stream.indirect.gather [spmem:s3], $0x40, s30, s16, $0xb8;
	[tilespmem:$0x1CC00] =	vst v63  }
0x50: {  	_ =	swait.ge [sflag:s20], $0x2000  }
0x51: {  	[sflag:s20] =	ssyncset.done $0x0  }
0x52: {  	s31 =	sadd.s32 $0x2880, s25;
	[sflag:s20] =	ssyncadd.s32 $0xFFFFE000  }
0x53: {  	[spmem:s2] =	stream.indirect.scatter.add.f32 [tilespmem:s18], [sflag:$0x3], $0x40, s31, s16, $0xb8;
	[tilespmem:$0x1CC00] =	vst v63  }
0x54: {  	_ =	swait.ge [sflag:s13], $0x2000  }
0x55: {  	[sflag:s13] =	ssyncset.done $0x0  }
0x56: {  	[sflag:s13] =	ssyncadd.s32 $0xFFFFE000  }
0x57: {  	[tilespmem:s18], [sflag:$0x2] =	stream.indirect.gather [spmem:s3], $0x40, s21, s16, $0xb8;
	[tilespmem:$0x1CC00] =	vst v63  }
0x58: {  	_ =	swait.ge [sflag:s19], $0x2000  }
0x59: {  	[sflag:s19] =	ssyncset.done $0x0  }
0x5a: {  	[sflag:s19] =	ssyncadd.s32 $0xFFFFE000  }
0x5b: {  	[spmem:s2] =	stream.indirect.scatter.add.f32 [tilespmem:s17], [sflag:$0x3], $0x40, s22, s16, $0xb8;
	[tilespmem:$0x1CC00] =	vst v63  }
0x5c: {  	_ =	swait.ge [sflag:s13], $0x2000  }
0x5d: {  	[sflag:s13] =	ssyncset.done $0x0  }
0x5e: {  	[sflag:s13] =	ssyncadd.s32 $0xFFFFE000  }
0x5f: {  	_ =	swait.ge [sflag:s20], $0x2000  }
0x60: {  	[sflag:s20] =	ssyncset.done $0x0  }
0x61: {  	[sflag:s20] =	ssyncadd.s32 $0xFFFFE000  }
0x62: {  	[spmem:s2] =	stream.indirect.scatter.add.f32 [tilespmem:s18], [sflag:$0x3], $0x40, s23, s16, $0xb8;
	[tilespmem:$0x1CC00] =	vst v63  }
0x63: {  	_ =	swait.ge [sflag:s13], $0x2000  }
0x64: {  	s24 =	sadd.s32 $0x1, s24;
	[sflag:s13] =	ssyncset.done $0x0  }
0x65: {  	p0 =	sne.s32 s24, s11;
	[sflag:s13] =	ssyncadd.s32 $0xFFFFE000  }
.Ltmp1:
0x66: {  	[bflag:$0x0] =	sbarrier.arrive $0xFFFF;
	(pc) =	sbr.rel @p0 .LBB2_1-.Ltmp1, $4  }
0x67: {  	[hbm:s10], [sflag:s6] =	dma.local [spmem:s12], $0x13C0  }
0x68: {  	_ =	swait.ge [sflag:s13], $0x13C0  }
0x69: {  	[sflag:s13] =	ssyncset.done $0x0  }
0x6a: {  	[sflag:s13] =	ssyncadd.s32 $0xFFFFEC40  }
0x6b: {  	_ =	sfence.sel $0x180000  }
0x6c: {  	[bflag:$0x0] =	sbarrier.arrive $0xFFFF  }
0x6d: {  	p0 =	sne.s32 s1, $0x0;
	_ =	strace $0x9000004D  }
0x6e: {  	s0 =	sadd.s32 @!p0 $0x100000, s0;
	[bflag:$0x2] =	sbarrier.arrive $0xFFFF  }
0x6f: {  	[sflag:s0] =	ssyncadd.tile.s32 @!p0 $0x1;
	_ =	shalt  }
.Lfunc_end2:
_tile_overlayer_lowered:
.L_overlay_start_2:
0x70: {  	(tag) =	ssettag $0x2  }
0x71: {  	s0 =	rddreg [dreg:$0x0];
	s2 =	stileid.u32  }
0x72: {  	s1 =	rddreg [dreg:$0x1];
	p0 =	sne.s32 s2, $0x0  }
0x73: {  	s3 =	rddreg [dreg:$0x2];
	[bflag:$0x3] =	sbarrier.arrive $0xFFFF;
	s2 =	simm.s32 @!p0 $0x1C03  }
0x74: {  	[timem:s3], [sflag:s2] =	dma.local @!p0 [hbm:s0], s1  }
0x75: {  	s0 =	simm.s32 @!p0 $0x3  }
0x76: {  	_ =	swait.ge @!p0 [sflag:s0], s1  }
0x77: {  	s1 =	ssub.s32 @!p0 $0x0, s1;
	[sflag:s0] =	ssyncset.done @!p0 $0x0  }
0x78: {  	[sflag:s0] =	ssyncadd.s32 @!p0 s1  }
0x79: {  	[bflag:$0x3] =	sbarrier.arrive $0xFFFF  }
0x7a: {  	_ =	shalt  }

// kernel: kernel.9.cloned.1.call-start
scs
__scs_entry_jumppad:
0x0: {  	(pc) =	sbr.rel $0x88, $3  }
0x1: {  	(tag) =	ssettag $0x0;
	lr =	simm.s32 $0x1  }
0x2: {  	[smem:$0x3F88] =	sst lr;
	_ =	strace $0xD0000000  }
0x3: {  	_ = 	snop  }
0x4: {  	_ = 	snop  }
0x5: {  	_ = 	snop  }
0x6: {  	_ = 	snop  }
0x7: {  	_ = 	snop  }
__scs_overlays_trampoline_lowered:
0x8: {  	[smem:$0x3F97] =	sst s0  }
0x9: {  	[smem:$0x3F98] =	sst s1  }
0xa: {  	[smem:$0x3F99] =	sst s2  }
0xb: {  	[smem:$0x3F9A] =	sst s3  }
0xc: {  	[smem:$0x3F9B] =	sst s4  }
0xd: {  	[smem:$0x3F9C] =	sst s5  }
0xe: {  	[smem:$0x3F9D] =	sst s6  }
0xf: {  	[smem:$0x3F9E] =	sst s7  }
0x10: {  	[smem:$0x3F9F] =	sst s8  }
0x11: {  	[smem:$0x3FA0] =	sst s9;
	s0 =	simm.s32 @!p0 $0x0  }
0x12: {  	s1 =	sld [smem:$0x3F86];
	s0 =	simm.s32 @p0 $0x1  }
0x13: {  	[smem:$0x3FA1] =	sst s0;
	s0 =	simm.s32 @!p1 $0x0  }
0x14: {  	s2 =	sld [smem:$0x3F85];
	s0 =	simm.s32 @p1 $0x1  }
0x15: {  	[smem:$0x3FA2] =	sst s0;
	s0 =	simm.s32 @!p2 $0x0  }
0x16: {  	s3 =	sld [smem:$0x3FDB];
	s0 =	simm.s32 @p2 $0x1  }
0x17: {  	s4 =	simm.s32 $0x1BF5;
	[smem:$0x3FA4] =	sst s0  }
0x18: {  	s0 =	sld [smem:$0x3F87];
	_ =	swait.ge [sflag:s4], $0x0  }
0x19: {  	s7 =	sld [smem:$0x3F88]  }
0x1a: {  	s8 =	sadd.s32 $0xFFFFE003, lr  }
0x1b: {  	s9 =	sadd.s32 $0xFFFFFEF7, lr;
	s5 =	simm.s32 $0xFFFFFFFF;
	p2 =	slt.u32 s8, $0xFFFFF086  }
0x1c: {  	p1 =	slt.u32 s9, $0xF7A;
	s5 =	simm.s32 @!p2 $0x0  }
0x1d: {  	s5 =	simm.s32 @p1 $0x1;
	p0 =	seq.s32 s7, s2  }
0x1e: {  	s7 =	smul.u32 @!p0 $0xF7A, s2;
	p2 =	seq.s32 @!p0 s5, $0x0  }
0x1f: {  	s9 =	smul.u32 $0xF7A, s1;
	s8 =	simm.s32 @!p0 $0x1BF5;
	p2 =	por !p2, p0  }
0x20: {  	[sflag:s8] =	ssyncset.s32 @!p0 $0xFFFFF086;
	s6 =	sadd.s32 @!p0 s3, s7;
	s7 =	simm.s32 @!p0 $0x108  }
0x21: {  	s3 =	sadd.s32 s3, s9;
	s6 =	sadd.s32 @!p0 $0x88, s6;
	s7 =	simm.s32 @p2 $0x1082  }
0x22: {  	[simem:s7], [sflag:s8] =	dma.local @!p0 [hbm:s6], $0xF7A  }
0x23: {  	s9 =	sor.u32 $0xD0000000, s2;
	s6 =	simm.s32 $0x108;
	_ =	swait.ge @!p0 [sflag:s8], $0x0  }
0x24: {  	s3 =	sadd.s32 $0x88, s3;
	s6 =	simm.s32 @!p1 $0x1082;
	[sflag:s4] =	ssyncset.s32 $0xFFFFF086  }
0x25: {  	[simem:s6], [sflag:s4] =	dma.local [hbm:s3], $0xF7A  }
0x26: {  	[smem:$0x3F88] =	sst s1;
	(tag) =	ssettag s2;
	_ =	strace s9  }
0x27: {  	s1 =	sld [smem:$0x3F98]  }
0x28: {  	s2 =	sld [smem:$0x3F99]  }
0x29: {  	s4 =	sld [smem:$0x3F9B]  }
0x2a: {  	p0 =	seq.s32 s5, $0x0;
	s5 =	sld [smem:$0x3F9C]  }
0x2b: {  	s6 =	sld [smem:$0x3F9D]  }
0x2c: {  	s7 =	sld [smem:$0x3F9E]  }
0x2d: {  	s3 =	simm.s32 $0x108;
	s8 =	sld [smem:$0x3F9F]  }
0x2e: {  	s3 =	simm.s32 @!p0 $0x1082;
	s9 =	sld [smem:$0x3FA0]  }
0x2f: {  	lr =	sadd.s32 s0, s3;
	s0 =	sld [smem:$0x3F97]  }
0x30: {  	s3 =	sld [smem:$0x3F9A]  }
0x31: {  	[smem:$0x3FA3] =	sst s10  }
0x32: {  	s10 =	sld [smem:$0x3FA1];
	_ =	sdelay $0x3  }
0x33: {  	p0 =	seq.s32 s10, $0x1;
	s10 =	sld [smem:$0x3FA3];
	_ =	sdelay $0x3  }
0x34: {  	[smem:$0x3FA3] =	sst s10  }
0x35: {  	s10 =	sld [smem:$0x3FA2];
	_ =	sdelay $0x3  }
0x36: {  	p1 =	seq.s32 s10, $0x1;
	s10 =	sld [smem:$0x3FA3];
	_ =	sdelay $0x3  }
0x37: {  	[smem:$0x3FA3] =	sst s10  }
0x38: {  	s10 =	sld [smem:$0x3FA4]  }
0x39: {  	_ = 	snop;
	(pc) =	sbr.ind lr, $3  }
0x3a: {  	_ = 	snop  }
0x3b: {  	_ = 	snop  }
0x3c: {  	p2 =	seq.s32 s10, $0x1;
	s10 =	sld [smem:$0x3FA3]  }
0x3d: {  	_ =	shalt  }
0x3e: {  	_ =	shalt  }
0x3f: {  	_ =	shalt  }
0x40: {  	_ =	shalt  }
0x41: {  	_ =	shalt  }
0x42: {  	_ =	shalt  }
0x43: {  	_ =	shalt  }
0x44: {  	_ =	shalt  }
0x45: {  	_ =	shalt  }
0x46: {  	_ =	shalt  }
0x47: {  	_ =	shalt  }
0x48: {  	_ =	shalt  }
0x49: {  	_ =	shalt  }
0x4a: {  	_ =	shalt  }
0x4b: {  	_ =	shalt  }
0x4c: {  	_ =	shalt  }
0x4d: {  	_ =	shalt  }
0x4e: {  	_ =	shalt  }
0x4f: {  	_ =	shalt  }
0x50: {  	_ =	shalt  }
0x51: {  	_ =	shalt  }
0x52: {  	_ =	shalt  }
0x53: {  	_ =	shalt  }
0x54: {  	_ =	shalt  }
0x55: {  	_ =	shalt  }
0x56: {  	_ =	shalt  }
0x57: {  	_ =	shalt  }
0x58: {  	_ =	shalt  }
0x59: {  	_ =	shalt  }
0x5a: {  	_ =	shalt  }
0x5b: {  	_ =	shalt  }
0x5c: {  	_ =	shalt  }
0x5d: {  	_ =	shalt  }
0x5e: {  	_ =	shalt  }
0x5f: {  	_ =	shalt  }
0x60: {  	_ =	shalt  }
0x61: {  	_ =	shalt  }
0x62: {  	_ =	shalt  }
0x63: {  	_ =	shalt  }
0x64: {  	_ =	shalt  }
0x65: {  	_ =	shalt  }
0x66: {  	_ =	shalt  }
0x67: {  	_ =	shalt  }
0x68: {  	_ =	shalt  }
0x69: {  	_ =	shalt  }
0x6a: {  	_ =	shalt  }
0x6b: {  	_ =	shalt  }
0x6c: {  	_ =	shalt  }
0x6d: {  	_ =	shalt  }
0x6e: {  	_ =	shalt  }
0x6f: {  	_ =	shalt  }
0x70: {  	_ =	shalt  }
0x71: {  	_ =	shalt  }
0x72: {  	_ =	shalt  }
0x73: {  	_ =	shalt  }
0x74: {  	_ =	shalt  }
0x75: {  	_ =	shalt  }
0x76: {  	_ =	shalt  }
0x77: {  	_ =	shalt  }
0x78: {  	_ =	shalt  }
0x79: {  	_ =	shalt  }
0x7a: {  	_ =	shalt  }
0x7b: {  	_ =	shalt  }
0x7c: {  	_ =	shalt  }
0x7d: {  	_ =	shalt  }
0x7e: {  	_ =	shalt  }
0x7f: {  	_ =	shalt  }
0x80: {  	_ =	shalt  }
0x81: {  	_ =	shalt  }
0x82: {  	_ =	shalt  }
0x83: {  	_ =	shalt  }
0x84: {  	_ =	shalt  }
0x85: {  	_ =	shalt  }
0x86: {  	_ =	shalt  }
0x87: {  	_ =	shalt  }
.Lfunc_end0:
.L_simem_size_0:
called_computation_lowered:
.L_overlay_start_0:
0x88: {  	s2 =	sld [smem:$0x3FD9]  }
0x89: {  	s3 =	sld [smem:$0x3FFE];
	_ =	sdelay $0x1  }
0x8a: {  	s1 =	srdreg.scid  }
0x8b: {  	s0 =	sand.u32 $0x1, s1  }
0x8c: {  	s16 =	sshll.u32 s0, $0xA;
	s2 =	sadd.s32 s3, s2  }
0x8d: {  	s2 =	sadd.s32 s2, s16  }
0x8e: {  	[smem:$0x3FAF] =	sst s2  }
0x8f: {  	_ = 	snop  }
0x90: {  	(tm) =	ssettm $0x1  }
0x91: {  	s17 =	sld [smem:$0x3FFB];
	_ =	sdelay $0x3  }
0x92: {  	_ =	strace s17  }
0x93: {  	s2 =	sld [smem:$0x3FFC];
	_ =	sdelay $0x3  }
0x94: {  	_ =	strace s2  }
0x95: {  	s2 =	sld [smem:$0x3FFD];
	_ =	sdelay $0x3  }
0x96: {  	_ =	strace s2  }
0x97: {  	_ =	strace $0x8FFFFFFF  }
0x98: {  	s18 =	sld [smem:$0x3FDB];
	_ =	sdelay $0x1  }
0x99: {  	s19 =	simm.s32 $_scs_section_size  }
0x9a: {  	s4 =	simm.s32 $_size__tile_overlayer_lowered;
	s5 =	simm.s32 $_tile_overlayer_lowered  }
0x9b: {  	s22 =	simm.s32 $0x1BFF;
	s21 =	sshll.u32 s5, $0x1;
	s2 =	sadd.s32 s19, s18  }
0x9c: {  	s6 =	simm.s32 $0x0;
	s20 =	sshll.u32 s4, $0x1;
	s4 =	sadd.s32 s21, s2  }
0x9d: {  	[timem:s6], [sflag:s22] =	dma.local [hbm:s4], s20  }
0x9e: {  	_ =	swait.ge [sflag:s22], s20  }
0x9f: {  	s3 =	ssub.s32 $0x0, s20;
	[sflag:s22] =	ssyncset.done $0x0  }
0xa0: {  	[sflag:s22] =	ssyncadd.s32 s3;
	_ =	sdelay $0x1  }
0xa1: {  	s23 =	simm.s32 $0x1B8B  }
0xa2: {  	_ =	swait.ge [sflag:s23], $0x1  }
0xa3: {  	[sflag:s23] =	ssyncset.done $0x0  }
0xa4: {  	s25 =	simm.s32 $0x1B8E;
	s24 =	sld [smem:$0x3FFE];
	[sflag:s23] =	ssyncadd.s32 $0xFFFFFFFF  }
0xa5: {  	s26 =	simm.s32 $execute0_lowered;
	[smem:$0x3FD2] =	sst s25  }
0xa6: {  	s4 =	sshll.u32 s26, $0x1;
	_ =	strace $0x80000046;
	[dreg:$0x1] =	wrdreg $0xFFFFFFFF  }
0xa7: {  	s28 =	simm.s32 $_size_execute0_lowered;
	s2 =	sadd.s32 s2, s4;
	[dreg:$0x0] =	wrdreg $0x0  }
0xa8: {  	s4 =	sshll.u32 s28, $0x1;
	[dreg:$0x2] =	wrdreg s2  }
0xa9: {  	[dreg:$0x3] =	wrdreg s4  }
0xaa: {  	[dreg:$0x4] =	wrdreg $0xC0  }
0xab: {  	_ =	task [dreg:s6], $0x5FFFF  }
0xac: {  	[dreg:$0x1] =	wrdreg $0xFFFFFFFF  }
0xad: {  	[dreg:$0x0] =	wrdreg $0x60  }
0xae: {  	[dreg:$0x2] =	wrdreg s24  }
0xaf: {  	[dreg:$0x3] =	wrdreg $0x12E000  }
0xb0: {  	[dreg:$0x4] =	wrdreg $0x90000  }
0xb1: {  	[dreg:$0x5] =	wrdreg $0x9  }
0xb2: {  	_ =	task.clear_ibuf [dreg:s6], $0x6FFFF;
	_ =	strace $0x90000046  }
0xb3: {  	s29 =	simm.s32 $0x9;
	_ =	strace $0x80000048  }
0xb4: {  	_ =	swait.ge [sflag:s29], $0x1  }
0xb5: {  	[sflag:s29] =	ssyncadd.s32 $0xFFFFFFFF  }
0xb6: {  	_ =	strace $0x90000048  }
0xb7: {  	_ =	sfence  }
0xb8: {  	s30 =	sld [smem:$0x0];
	_ =	sdelay $0x2  }
0xb9: {  	s31 =	sshll.u32 s1, $0xD;
	s1 =	sshrl.u32 s1, $0x2  }
0xba: {  	s3 =	sand.u32 $0x4000, s31;
	s1 =	sadd.s32 s1, s30  }
0xbb: {  	s0 =	sor.u32 s3, s0;
	s1 =	sshll.u32 s1, $0x11  }
0xbc: {  	s0 =	sor.u32 s1, s0  }
0xbd: {  	s0 =	sadd.s32 $0x8F2B, s0  }
0xbe: {  	[sflag:s0] =	ssyncadd.remote.s32 $0x1  }
0xbf: {  	_ =	sfence.sel $0xFFFF  }
0xc0: {  	[dreg:$0x0] =	wrdreg $0xFFFFFFFF;
	(pc) =	sbr.abs _section_cstart, $3  }
0xc1: {  	[dreg:$0x1] =	wrdreg $0xFFFFFFFF  }
0xc2: {  	_ =	task.clear_ibuf [dreg:s6], $0x2FFFF;
	_ =	strace $0x9FFFFFFF  }
0xc3: {  	(tm) =	ssettm $0x7FFFFFFF  }
tec
execute0_lowered:
.L_overlay_start_1:
0x0: {  	(tag) =	ssettag $0x1  }
0x1: {  	s5 =	rddreg [dreg:$0x0]  }
0x2: {  	s2 =	rddreg [dreg:$0x1]  }
0x3: {  	s3 =	rddreg [dreg:$0x2]  }
0x4: {  	s0 =	rddreg [dreg:$0x3];
	s1 =	stileid.u32  }
0x5: {  	s6 =	srdreg.scid;
	s4 =	simm.s32 $0x0;
	s16 =	simm.s32 $0x80  }
0x6: {  	s17 =	simm.s32 $0x5000;
	s18 =	simm.s32 $0x7000;
	s19 =	simm.s32 $0x1  }
0x7: {  	s20 =	simm.s32 $0x2;
	s21 =	simm.s32 $0x2780;
	s22 =	simm.s32 $0x4F00  }
0x8: {  	s23 =	simm.s32 $0x4F80;
	s24 =	simm.s32 $0x0;
	s7 =	smul.u32 $0x9E00, s1  }
0x9: {  	s6 =	sand.u32 $0x1, s6;
	[smem:$0x7FF] =	sst s4;
	s8 =	sshll.u32 s1, $0x1  }
0xa: {  	s31 =	sshll.u32 s1, $0x6;
	s9 =	smul.u32 $0x9E000, s6;
	_ =	strace $0x80000047  }
0xb: {  	s8 =	sor.u32 s6, s8;
	s6 =	ssub.s32 $0x2, s6;
	s10 =	sshrl.u32 s7, $0x3  }
0xc: {  	s8 =	smul.u32 $0x500, s8;
	s30 =	sshrl.u32 s6, $0x1;
	s14 =	sadd.s32 s7, s2  }
0xd: {  	s15 =	sadd.s32 s7, s3;
	s9 =	sadd.s32 s7, s9;
	s10 =	sadd.s32 s10, s5  }
0xe: {  	s13 =	ssub.s32 s6, s30;
	s6 =	sor.u32 $0x1C03, s31;
	s9 =	sshrl.u32 s9, $0x3  }
0xf: {  	s11 =	sadd.s32 s8, s5;
	s7 =	sadd.s32 $0x50E00, s10;
	s12 =	sadd.s32 s9, s5  }
0x10: {  	s5 =	sadd.s32 $0x15400, s10;
	s8 =	sadd.s32 $0xB400, s11;
	s9 =	sadd.s32 $0x1400, s11  }
0x11: {  	s11 =	smax.u32 s13, $0x1;
	s13 =	simm.s32 $0x3;
	s10 =	sadd.s32 $0x64A00, s12  }
0x12: {  	s12 =	sshrl.u32 s14, $0x3;
	s14 =	sshrl.u32 s15, $0x3;
	s15 =	simm.s32 $0x2800  }
.LBB2_1:
0x13: {  	[spmem:s12], [sflag:s6] =	dma.local [hbm:s5], $0x13C0  }
0x14: {  	_ =	swait.ge [sflag:s13], $0x13C0  }
0x15: {  	[sflag:s13] =	ssyncset.done $0x0  }
0x16: {  	[sflag:s13] =	ssyncadd.s32 $0xFFFFEC40  }
0x17: {  	[spmem:s14], [sflag:s6] =	dma.local [hbm:s7], $0x13C0  }
0x18: {  	_ =	swait.ge [sflag:s13], $0x13C0  }
0x19: {  	[sflag:s13] =	ssyncset.done $0x0  }
0x1a: {  	[sflag:s13] =	ssyncadd.s32 $0xFFFFEC40  }
0x1b: {  	[tilespmem:s4], [sflag:$0x3] =	stream.linear.gather [hbm4b:s8+s4], $0x2800, $0x38;
	[tilespmem:$0x1CC00] =	vst v63  }
0x1c: {  	_ =	swait.ge [sflag:s13], $0x2800  }
0x1d: {  	[sflag:s13] =	ssyncset.done $0x0  }
0x1e: {  	[sflag:s13] =	ssyncadd.s32 $0xFFFFD800  }
0x1f: {  	[tilespmem:s15], [sflag:$0x3] =	stream.linear.gather [hbm4b:s9+s4], $0x2800, $0x38;
	[tilespmem:$0x1CC00] =	vst v63  }
0x20: {  	_ =	swait.ge [sflag:s13], $0x2800  }
0x21: {  	[sflag:s13] =	ssyncset.done $0x0  }
0x22: {  	[sflag:s13] =	ssyncadd.s32 $0xFFFFD800  }
0x23: {  	[bflag:$0x0] =	sbarrier.arrive $0xFFFF  }
0x24: {  	[tilespmem:s17], [sflag:$0x1] =	stream.indirect.gather [spmem:s3], $0x40, s4, s16, $0xb8;
	[tilespmem:$0x1CC00] =	vst v63  }
0x25: {  	s25 =	simm.s32 $0x80  }
0x26: {  	[tilespmem:s18], [sflag:$0x2] =	stream.indirect.gather [spmem:s3], $0x40, s25, s16, $0xb8;
	[tilespmem:$0x1CC00] =	vst v63  }
0x27: {  	_ =	swait.ge [sflag:s19], $0x2000  }
0x28: {  	[sflag:s19] =	ssyncset.done $0x0  }
0x29: {  	s29 =	simm.s32 $0x2800;
	[sflag:s19] =	ssyncadd.s32 $0xFFFFE000  }
0x2a: {  	[spmem:s2] =	stream.indirect.scatter.add.f32 [tilespmem:s17], [sflag:$0x3], $0x40, s29, s16, $0xb8;
	[tilespmem:$0x1CC00] =	vst v63  }
0x2b: {  	_ =	swait.ge [sflag:s13], $0x2000  }
0x2c: {  	[sflag:s13] =	ssyncset.done $0x0  }
0x2d: {  	s30 =	simm.s32 $0x100;
	[sflag:s13] =	ssyncadd.s32 $0xFFFFE000  }
0x2e: {  	[tilespmem:s17], [sflag:$0x1] =	stream.indirect.gather [spmem:s3], $0x40, s30, s16, $0xb8;
	[tilespmem:$0x1CC00] =	vst v63  }
0x2f: {  	_ =	swait.ge [sflag:s20], $0x2000  }
0x30: {  	[sflag:s20] =	ssyncset.done $0x0  }
0x31: {  	s31 =	simm.s32 $0x2880;
	[sflag:s20] =	ssyncadd.s32 $0xFFFFE000  }
0x32: {  	[spmem:s2] =	stream.indirect.scatter.add.f32 [tilespmem:s18], [sflag:$0x3], $0x40, s31, s16, $0xb8;
	[tilespmem:$0x1CC00] =	vst v63  }
0x33: {  	_ =	swait.ge [sflag:s13], $0x2000  }
0x34: {  	s26 =	simm.s32 $0x800;
	s25 =	simm.s32 $0x100;
	[sflag:s13] =	ssyncset.done $0x0  }
.LBB2_2:
0x35: {  	s28 =	sadd.s32 $0x80, s25  }
0x36: {  	[sflag:s13] =	ssyncadd.s32 $0xFFFFE000;
	s29 =	smov.u32 s26;
	s30 =	sadd.s32 $0x400, s26  }
0x37: {  	[tilespmem:s18], [sflag:$0x2] =	stream.indirect.gather [spmem:s3], $0x40, s28, s16, $0xb8;
	[tilespmem:$0x1CC00] =	vst v63  }
0x38: {  	p0 =	sne.s32 s26, $0x9800;
	_ =	swait.ge [sflag:s19], $0x2000  }
0x39: {  	[sflag:s19] =	ssyncset.done $0x0  }
0x3a: {  	s26 =	sadd.s32 $0x2800, s25;
	[sflag:s19] =	ssyncadd.s32 $0xFFFFE000  }
0x3b: {  	[spmem:s2] =	stream.indirect.scatter.add.f32 [tilespmem:s17], [sflag:$0x3], $0x40, s26, s16, $0xb8;
	[tilespmem:$0x1CC00] =	vst v63  }
0x3c: {  	_ =	swait.ge [sflag:s13], $0x2000  }
0x3d: {  	[sflag:s13] =	ssyncset.done $0x0  }
0x3e: {  	s26 =	sadd.s32 $0x100, s25;
	[sflag:s13] =	ssyncadd.s32 $0xFFFFE000  }
0x3f: {  	[tilespmem:s17], [sflag:$0x1] =	stream.indirect.gather [spmem:s3], $0x40, s26, s16, $0xb8;
	[tilespmem:$0x1CC00] =	vst v63  }
0x40: {  	_ =	swait.ge [sflag:s20], $0x2000  }
.Ltmp0:
0x41: {  	[sflag:s20] =	ssyncset.done $0x0;
	(pc) =	sbr.rel @p0 .LBB2_2-.Ltmp0, $4  }
0x42: {  	s25 =	sadd.s32 $0x2880, s25;
	[sflag:s20] =	ssyncadd.s32 $0xFFFFE000  }
0x43: {  	[spmem:s2] =	stream.indirect.scatter.add.f32 [tilespmem:s18], [sflag:$0x3], $0x40, s25, s16, $0xb8;
	[tilespmem:$0x1CC00] =	vst v63  }
0x44: {  	_ =	swait.ge [sflag:s13], $0x2000  }
0x45: {  	s26 =	smov.u32 s30;
	s25 =	sshra.s32 s29, $0x2;
	[sflag:s13] =	ssyncset.done $0x0  }
0x46: {  	s26 =	sadd.s32 $0x80, s25;
	[sflag:s13] =	ssyncadd.s32 $0xFFFFE000  }
0x47: {  	[tilespmem:s18], [sflag:$0x2] =	stream.indirect.gather [spmem:s3], $0x40, s26, s16, $0xb8;
	[tilespmem:$0x1CC00] =	vst v63  }
0x48: {  	_ =	swait.ge [sflag:s19], $0x2000  }
0x49: {  	[sflag:s19] =	ssyncset.done $0x0  }
0x4a: {  	s29 =	sadd.s32 $0x2800, s25;
	[sflag:s19] =	ssyncadd.s32 $0xFFFFE000  }
0x4b: {  	[spmem:s2] =	stream.indirect.scatter.add.f32 [tilespmem:s17], [sflag:$0x3], $0x40, s29, s16, $0xb8;
	[tilespmem:$0x1CC00] =	vst v63  }
0x4c: {  	_ =	swait.ge [sflag:s13], $0x2000  }
0x4d: {  	[sflag:s13] =	ssyncset.done $0x0  }
0x4e: {  	s30 =	sadd.s32 $0x100, s25;
	[sflag:s13] =	ssyncadd.s32 $0xFFFFE000  }
0x4f: {  	[tilespmem:s17], [sflag:$0x1] =	stream.indirect.gather [spmem:s3], $0x40, s30, s16, $0xb8;
	[tilespmem:$0x1CC00] =	vst v63  }
0x50: {  	_ =	swait.ge [sflag:s20], $0x2000  }
0x51: {  	[sflag:s20] =	ssyncset.done $0x0  }
0x52: {  	s31 =	sadd.s32 $0x2880, s25;
	[sflag:s20] =	ssyncadd.s32 $0xFFFFE000  }
0x53: {  	[spmem:s2] =	stream.indirect.scatter.add.f32 [tilespmem:s18], [sflag:$0x3], $0x40, s31, s16, $0xb8;
	[tilespmem:$0x1CC00] =	vst v63  }
0x54: {  	_ =	swait.ge [sflag:s13], $0x2000  }
0x55: {  	[sflag:s13] =	ssyncset.done $0x0  }
0x56: {  	[sflag:s13] =	ssyncadd.s32 $0xFFFFE000  }
0x57: {  	[tilespmem:s18], [sflag:$0x2] =	stream.indirect.gather [spmem:s3], $0x40, s21, s16, $0xb8;
	[tilespmem:$0x1CC00] =	vst v63  }
0x58: {  	_ =	swait.ge [sflag:s19], $0x2000  }
0x59: {  	[sflag:s19] =	ssyncset.done $0x0  }
0x5a: {  	[sflag:s19] =	ssyncadd.s32 $0xFFFFE000  }
0x5b: {  	[spmem:s2] =	stream.indirect.scatter.add.f32 [tilespmem:s17], [sflag:$0x3], $0x40, s22, s16, $0xb8;
	[tilespmem:$0x1CC00] =	vst v63  }
0x5c: {  	_ =	swait.ge [sflag:s13], $0x2000  }
0x5d: {  	[sflag:s13] =	ssyncset.done $0x0  }
0x5e: {  	[sflag:s13] =	ssyncadd.s32 $0xFFFFE000  }
0x5f: {  	_ =	swait.ge [sflag:s20], $0x2000  }
0x60: {  	[sflag:s20] =	ssyncset.done $0x0  }
0x61: {  	[sflag:s20] =	ssyncadd.s32 $0xFFFFE000  }
0x62: {  	[spmem:s2] =	stream.indirect.scatter.add.f32 [tilespmem:s18], [sflag:$0x3], $0x40, s23, s16, $0xb8;
	[tilespmem:$0x1CC00] =	vst v63  }
0x63: {  	_ =	swait.ge [sflag:s13], $0x2000  }
0x64: {  	s24 =	sadd.s32 $0x1, s24;
	[sflag:s13] =	ssyncset.done $0x0  }
0x65: {  	p0 =	sne.s32 s24, s11;
	[sflag:s13] =	ssyncadd.s32 $0xFFFFE000  }
.Ltmp1:
0x66: {  	[bflag:$0x0] =	sbarrier.arrive $0xFFFF;
	(pc) =	sbr.rel @p0 .LBB2_1-.Ltmp1, $4  }
0x67: {  	[hbm:s10], [sflag:s6] =	dma.local [spmem:s12], $0x13C0  }
0x68: {  	_ =	swait.ge [sflag:s13], $0x13C0  }
0x69: {  	[sflag:s13] =	ssyncset.done $0x0  }
0x6a: {  	[sflag:s13] =	ssyncadd.s32 $0xFFFFEC40  }
0x6b: {  	_ =	sfence.sel $0x180000  }
0x6c: {  	[bflag:$0x0] =	sbarrier.arrive $0xFFFF  }
0x6d: {  	p0 =	sne.s32 s1, $0x0;
	_ =	strace $0x90000047  }
0x6e: {  	s0 =	sadd.s32 @!p0 $0x100000, s0;
	[bflag:$0x2] =	sbarrier.arrive $0xFFFF  }
0x6f: {  	[sflag:s0] =	ssyncadd.tile.s32 @!p0 $0x1;
	_ =	shalt  }
.Lfunc_end2:
_tile_overlayer_lowered:
.L_overlay_start_2:
0x70: {  	(tag) =	ssettag $0x2  }
0x71: {  	s0 =	rddreg [dreg:$0x0];
	s2 =	stileid.u32  }
0x72: {  	s1 =	rddreg [dreg:$0x1];
	p0 =	sne.s32 s2, $0x0  }
0x73: {  	s3 =	rddreg [dreg:$0x2];
	[bflag:$0x3] =	sbarrier.arrive $0xFFFF;
	s2 =	simm.s32 @!p0 $0x1C03  }
0x74: {  	[timem:s3], [sflag:s2] =	dma.local @!p0 [hbm:s0], s1  }
0x75: {  	s0 =	simm.s32 @!p0 $0x3  }
0x76: {  	_ =	swait.ge @!p0 [sflag:s0], s1  }
0x77: {  	s1 =	ssub.s32 @!p0 $0x0, s1;
	[sflag:s0] =	ssyncset.done @!p0 $0x0  }
0x78: {  	[sflag:s0] =	ssyncadd.s32 @!p0 s1  }
0x79: {  	[bflag:$0x3] =	sbarrier.arrive $0xFFFF  }
0x7a: {  	_ =	shalt  }

</sc_bundles>
